<compile_context>
chip_gen: v7x
topology: tpu7x:2x2x1
jax: 0.10.2.dev20260603
libtpu: 0.0.44.dev20260713+nightly
codegen_flags: <defaults>
</compile_context>

<pallas_src>
import functools

import jax
import jax.numpy as jnp
from jax import lax
from jax.experimental import pallas as pl
from jax.experimental.pallas import tpu as pltpu
from jax.experimental.pallas import tpu_sc as plsc

_C = 80
_Q = 900
_B = 128
_K = 300
_FLAT = _Q * _C
_CMAX = 384
_HBITS = 15
_HBINS = 1 << _HBITS
_SHIFT = 32 - _HBITS
_NWORKERS = 32
_ROWS_PER_W = _B // _NWORKERS
_CHUNKS = _FLAT // 16


def _sortable_key_u32(x_f32):
    b = lax.bitcast_convert_type(x_f32, jnp.int32)
    k = b ^ ((b >> 31) | jnp.int32(-(2 ** 31)))
    return lax.bitcast_convert_type(k, jnp.uint32)


def _sc_all_kernel(logits_hbm, boxes_hbm, layers_hbm, scale_hbm,
                   lab_hbm, box_hbm, sc_hbm, lay_hbm,
                   rowbuf, hist, ckv, civ,
                   layrow, boxrow, sclrow, rankb, clay, posb,
                   olab, obox, osc, olay):
    wid = lax.axis_index("s") * 2 + lax.axis_index("c")
    nch = _CMAX // 16

    def do_row(r, _):
        row = r * _NWORKERS + wid
        pltpu.sync_copy(logits_hbm.at[row], rowbuf)
        pltpu.sync_copy(layers_hbm.at[row], layrow)
        pltpu.sync_copy(boxes_hbm.at[row], boxrow)
        pltpu.sync_copy(scale_hbm.at[row], sclrow)

        def zh(i, c):
            hist[pl.ds(i * 16, 16)] = jnp.zeros((16,), jnp.int32)
            return c
        lax.fori_loop(0, _HBINS // 16, zh, 0)

        def hp(i, c):
            ku = _sortable_key_u32(rowbuf[pl.ds(i * 16, 16)])
            binidx = lax.bitcast_convert_type(ku >> _SHIFT, jnp.int32)
            plsc.addupdate_scatter(hist, [binidx], jnp.ones((16,), jnp.int32))
            return c
        lax.fori_loop(0, _CHUNKS, hp, 0)

        def ts(i, carry):
            above, found, above_f = carry
            cc = _HBINS // 16 - 1 - i
            cnt = hist[pl.ds(cc * 16, 16)]
            cs = plsc.cumsum(cnt)
            tot = jnp.sum(cnt)
            suffix = tot - cs + cnt
            cond = (above + suffix) >= _K
            ntrue = jnp.max(plsc.all_reduce_population_count(cond))
            bstar = cc * 16 + ntrue - 1
            hit = (found < 0) & (ntrue > 0)
            lane_above = tot - jnp.max(
                jnp.where(lax.iota(jnp.int32, 16) == (ntrue - 1), cs, 0))
            found = jnp.where(hit, bstar, found)
            above_f = jnp.where(hit, above + lane_above, above_f)
            return above + tot, found, above_f
        _, bstar, above_f = lax.fori_loop(
            0, _HBINS // 16, ts,
            (jnp.int32(0), jnp.int32(-1), jnp.int32(0)))

        def zh2(i, c):
            hist[pl.ds(i * 16, 16)] = jnp.zeros((16,), jnp.int32)
            return c
        lax.fori_loop(0, 512 // 16, zh2, 0)
        bstar_u = bstar.astype(jnp.uint32)

        def hp2(i, c):
            ku = _sortable_key_u32(rowbuf[pl.ds(i * 16, 16)])
            m15 = (ku >> _SHIFT) == bstar_u
            sub = lax.bitcast_convert_type(
                (ku >> (_SHIFT - 9)) & jnp.uint32(511), jnp.int32)
            plsc.addupdate_scatter(hist, [sub], jnp.ones((16,), jnp.int32),
                                   mask=m15)
            return c
        lax.fori_loop(0, _CHUNKS, hp2, 0)

        def ts2(i, carry):
            above, found = carry
            cc = 512 // 16 - 1 - i
            cnt = hist[pl.ds(cc * 16, 16)]
            cs = plsc.cumsum(cnt)
            tot = jnp.sum(cnt)
            suffix = tot - cs + cnt
            cond = (above + suffix) >= _K
            ntrue = jnp.max(plsc.all_reduce_population_count(cond))
            sstar = cc * 16 + ntrue - 1
            found = jnp.where(found >= 0, found,
                              jnp.where(ntrue > 0, sstar, jnp.int32(-1)))
            return above + tot, found
        _, sstar = lax.fori_loop(0, 512 // 16, ts2,
                                 (above_f, jnp.int32(-1)))
        thr = lax.bitcast_convert_type(
            (bstar << _SHIFT) | (sstar << (_SHIFT - 9)), jnp.uint32)

        def ic(i, c):
            ckv[pl.ds(i * 16, 16)] = jnp.zeros((16,), jnp.uint32)
            civ[pl.ds(i * 16, 16)] = _FLAT + i * 16 + lax.iota(jnp.int32, 16)
            return c
        lax.fori_loop(0, _CMAX // 16, ic, 0)

        def cp(i, off):
            ku = _sortable_key_u32(rowbuf[pl.ds(i * 16, 16)])
            m = ku >= thr
            idx = i * 16 + lax.iota(jnp.int32, 16)
            plsc.store_compressed(ckv.at[pl.ds(off, 16)], ku, mask=m)
            plsc.store_compressed(civ.at[pl.ds(off, 16)], idx, mask=m)
            n = jnp.max(plsc.all_reduce_population_count(m))
            return jnp.minimum(off + n, jnp.int32(_CMAX - 16))
        lax.fori_loop(0, _CHUNKS, cp, jnp.int32(0))

        def lg(c, _a):
            qq = jnp.minimum(civ[pl.ds(c * 16, 16)] // _C, jnp.int32(_Q - 1))
            clay[pl.ds(c * 16, 16)] = plsc.load_gather(layrow, [qq])
            return _a
        lax.fori_loop(0, nch, lg, 0)

        def rk(ci, _a):
            ki = ckv[pl.ds(ci * 16, 16)]
            ii = civ[pl.ds(ci * 16, 16)]

            def rj(j, racc):
                kj = ckv[pl.ds(j, 16)][0]
                ij = civ[pl.ds(j, 16)][0]
                gt = (kj > ki) | ((kj == ki) & (ij < ii))
                return racc + gt.astype(jnp.int32)
            racc = lax.fori_loop(0, _CMAX, rj, jnp.zeros((16,), jnp.int32))
            rankb[pl.ds(ci * 16, 16)] = racc
            return _a
        lax.fori_loop(0, nch, rk, 0)

        def cb(c, _a):
            rnk = rankb[pl.ds(c * 16, 16)]
            comb = jnp.where(rnk < _K,
                             clay[pl.ds(c * 16, 16)] * 1024 + rnk,
                             jnp.int32(1 << 20) + civ[pl.ds(c * 16, 16)])
            rankb[pl.ds(c * 16, 16)] = comb
            return _a
        lax.fori_loop(0, nch, cb, 0)

        def pr(ci, _a):
            ci_v = rankb[pl.ds(ci * 16, 16)]

            def pj(j, pacc):
                return pacc + (rankb[pl.ds(j, 16)][0] < ci_v).astype(jnp.int32)
            pacc = lax.fori_loop(0, _CMAX, pj, jnp.zeros((16,), jnp.int32))
            posb[pl.ds(ci * 16, 16)] = pacc
            return _a
        lax.fori_loop(0, nch, pr, 0)

        sclv = sclrow[pl.ds(0, 16)]
        s0 = sclv[0]
        s1 = sclv[1]

        def sc_out(c, _a):
            p = posb[pl.ds(c * 16, 16)]
            m = p < _K
            p = jnp.minimum(p, jnp.int32(_K - 1))
            idx = civ[pl.ds(c * 16, 16)]
            qq = jnp.minimum(idx // _C, jnp.int32(_Q - 1))
            plsc.store_scatter(olab, [p], idx - qq * _C, mask=m)
            plsc.store_scatter(olay, [p], clay[pl.ds(c * 16, 16)], mask=m)
            ki = lax.bitcast_convert_type(ckv[pl.ds(c * 16, 16)], jnp.int32)
            bits = jnp.where(ki < 0, ki & jnp.int32(0x7FFFFFFF), ~ki)
            x = lax.bitcast_convert_type(bits, jnp.float32)
            plsc.store_scatter(osc, [p], 1.0 / (1.0 + jnp.exp(-x)), mask=m)
            q4 = qq * 4
            cx = plsc.load_gather(boxrow, [q4])
            cy = plsc.load_gather(boxrow, [q4 + 1])
            w = plsc.load_gather(boxrow, [q4 + 2])
            h = plsc.load_gather(boxrow, [q4 + 3])
            p4 = p * 4
            plsc.store_scatter(obox, [p4], (cx - 0.5 * w) * s0, mask=m)
            plsc.store_scatter(obox, [p4 + 1], (cy - 0.5 * h) * s1, mask=m)
            plsc.store_scatter(obox, [p4 + 2], (cx + 0.5 * w) * s0, mask=m)
            plsc.store_scatter(obox, [p4 + 3], (cy + 0.5 * h) * s1, mask=m)
            return _a
        lax.fori_loop(0, nch, sc_out, 0)

        pltpu.sync_copy(olab, lab_hbm.at[row])
        pltpu.sync_copy(obox, box_hbm.at[row])
        pltpu.sync_copy(osc, sc_hbm.at[row])
        pltpu.sync_copy(olay, lay_hbm.at[row])
        return _
    lax.fori_loop(0, _ROWS_PER_W, do_row, 0)


def _sc_all(logits_2d, pred_boxes, pred_layers, orig_sizes):
    mesh = plsc.VectorSubcoreMesh(core_axis_name="c", subcore_axis_name="s")
    boxes_flat = pred_boxes.reshape(_B, _Q * 4)
    layers_p = jnp.pad(pred_layers.reshape(_B, _Q), ((0, 0), (0, 124)))
    sz = orig_sizes.astype(jnp.float32)
    scale = jnp.tile(sz, (1, 8))
    kp = 304
    fn = functools.partial(
        pl.kernel,
        out_type=[
            jax.ShapeDtypeStruct((_B, kp), jnp.int32),
            jax.ShapeDtypeStruct((_B, _K * 4), jnp.float32),
            jax.ShapeDtypeStruct((_B, kp), jnp.float32),
            jax.ShapeDtypeStruct((_B, kp), jnp.int32),
        ],
        mesh=mesh,
        compiler_params=pltpu.CompilerParams(needs_layout_passes=False),
        scratch_types=[
            pltpu.VMEM((_FLAT,), jnp.float32),
            pltpu.VMEM((_HBINS,), jnp.int32),
            pltpu.VMEM((_CMAX + 16,), jnp.uint32),
            pltpu.VMEM((_CMAX + 16,), jnp.int32),
            pltpu.VMEM((_Q + 124,), jnp.int32),
            pltpu.VMEM((_Q * 4,), jnp.float32),
            pltpu.VMEM((16,), jnp.float32),
            pltpu.VMEM((_CMAX + 16,), jnp.int32),
            pltpu.VMEM((_CMAX,), jnp.int32),
            pltpu.VMEM((_CMAX,), jnp.int32),
            pltpu.VMEM((kp,), jnp.int32),
            pltpu.VMEM((_K * 4,), jnp.float32),
            pltpu.VMEM((kp,), jnp.float32),
            pltpu.VMEM((kp,), jnp.int32),
        ],
    )(_sc_all_kernel)
    olab, obox, osc, olay = fn(logits_2d, boxes_flat, layers_p, scale)
    return (olab[:, :_K], obox.reshape(_B, _K, 4), osc[:, :_K], olay[:, :_K])


def _sc_finish_kernel(ckey_hbm, cidx_hbm, boxes_hbm, layers_hbm, scale_hbm,
                      lab_hbm, box_hbm, sc_hbm, lay_hbm,
                      ckv, civ, layrow, boxrow, sclrow,
                      rankb, clay, posb, olab, obox, osc, olay):
    wid = lax.axis_index("s") * 2 + lax.axis_index("c")
    nch = _CMAX // 16

    def do_row(r, _):
        row = r * _NWORKERS + wid
        pltpu.sync_copy(ckey_hbm.at[row], ckv.at[pl.ds(0, _CMAX)])
        pltpu.sync_copy(cidx_hbm.at[row], civ.at[pl.ds(0, _CMAX)])
        pltpu.sync_copy(layers_hbm.at[row], layrow)
        pltpu.sync_copy(boxes_hbm.at[row], boxrow)
        pltpu.sync_copy(scale_hbm.at[row], sclrow)

        def lg(c, _a):
            q = jnp.minimum(civ[pl.ds(c * 16, 16)] // _C, jnp.int32(_Q - 1))
            clay[pl.ds(c * 16, 16)] = plsc.load_gather(layrow, [q])
            return _a
        lax.fori_loop(0, nch, lg, 0)

        def rk(ci, _a):
            ki = ckv[pl.ds(ci * 16, 16)]
            ii = civ[pl.ds(ci * 16, 16)]

            def rj(j, racc):
                kj = ckv[pl.ds(j, 16)][0]
                ij = civ[pl.ds(j, 16)][0]
                gt = (kj > ki) | ((kj == ki) & (ij < ii))
                return racc + gt.astype(jnp.int32)
            racc = lax.fori_loop(0, _CMAX, rj, jnp.zeros((16,), jnp.int32))
            rankb[pl.ds(ci * 16, 16)] = racc
            return _a
        lax.fori_loop(0, nch, rk, 0)

        def cb(c, _a):
            rnk = rankb[pl.ds(c * 16, 16)]
            comb = jnp.where(rnk < _K,
                             clay[pl.ds(c * 16, 16)] * 1024 + rnk,
                             jnp.int32(1 << 20) + civ[pl.ds(c * 16, 16)])
            rankb[pl.ds(c * 16, 16)] = comb
            return _a
        lax.fori_loop(0, nch, cb, 0)

        def pr(ci, _a):
            ci_v = rankb[pl.ds(ci * 16, 16)]

            def pj(j, pacc):
                return pacc + (rankb[pl.ds(j, 16)][0] < ci_v).astype(jnp.int32)
            pacc = lax.fori_loop(0, _CMAX, pj, jnp.zeros((16,), jnp.int32))
            posb[pl.ds(ci * 16, 16)] = pacc
            return _a
        lax.fori_loop(0, nch, pr, 0)

        sclv = sclrow[pl.ds(0, 16)]
        s0 = sclv[0]
        s1 = sclv[1]

        def sc_out(c, _a):
            p = posb[pl.ds(c * 16, 16)]
            m = p < _K
            p = jnp.minimum(p, jnp.int32(_K - 1))
            idx = civ[pl.ds(c * 16, 16)]
            q = jnp.minimum(idx // _C, jnp.int32(_Q - 1))
            plsc.store_scatter(olab, [p], idx - q * _C, mask=m)
            plsc.store_scatter(olay, [p], clay[pl.ds(c * 16, 16)], mask=m)
            ki = lax.bitcast_convert_type(ckv[pl.ds(c * 16, 16)], jnp.int32)
            bits = jnp.where(ki < 0, ki & jnp.int32(0x7FFFFFFF), ~ki)
            x = lax.bitcast_convert_type(bits, jnp.float32)
            plsc.store_scatter(osc, [p], 1.0 / (1.0 + jnp.exp(-x)), mask=m)
            q4 = q * 4
            cx = plsc.load_gather(boxrow, [q4])
            cy = plsc.load_gather(boxrow, [q4 + 1])
            w = plsc.load_gather(boxrow, [q4 + 2])
            h = plsc.load_gather(boxrow, [q4 + 3])
            p4 = p * 4
            plsc.store_scatter(obox, [p4], (cx - 0.5 * w) * s0, mask=m)
            plsc.store_scatter(obox, [p4 + 1], (cy - 0.5 * h) * s1, mask=m)
            plsc.store_scatter(obox, [p4 + 2], (cx + 0.5 * w) * s0, mask=m)
            plsc.store_scatter(obox, [p4 + 3], (cy + 0.5 * h) * s1, mask=m)
            return _a
        lax.fori_loop(0, nch, sc_out, 0)

        pltpu.sync_copy(olab, lab_hbm.at[row])
        pltpu.sync_copy(obox, box_hbm.at[row])
        pltpu.sync_copy(osc, sc_hbm.at[row])
        pltpu.sync_copy(olay, lay_hbm.at[row])
        return _
    lax.fori_loop(0, _ROWS_PER_W, do_row, 0)


def _sc_finish(ckey, cidx, pred_boxes, pred_layers, orig_sizes):
    mesh = plsc.VectorSubcoreMesh(core_axis_name="c", subcore_axis_name="s")
    boxes_flat = pred_boxes.reshape(_B, _Q * 4)
    layers_p = jnp.pad(pred_layers.reshape(_B, _Q), ((0, 0), (0, 124)))
    sz = orig_sizes.astype(jnp.float32)
    scale = jnp.tile(sz, (1, 8))
    kp = 304
    fn = functools.partial(
        pl.kernel,
        out_type=[
            jax.ShapeDtypeStruct((_B, kp), jnp.int32),
            jax.ShapeDtypeStruct((_B, _K * 4), jnp.float32),
            jax.ShapeDtypeStruct((_B, kp), jnp.float32),
            jax.ShapeDtypeStruct((_B, kp), jnp.int32),
        ],
        mesh=mesh,
        compiler_params=pltpu.CompilerParams(needs_layout_passes=False),
        scratch_types=[
            pltpu.VMEM((_CMAX + 16,), jnp.uint32),
            pltpu.VMEM((_CMAX + 16,), jnp.int32),
            pltpu.VMEM((_Q + 124,), jnp.int32),
            pltpu.VMEM((_Q * 4,), jnp.float32),
            pltpu.VMEM((16,), jnp.float32),
            pltpu.VMEM((_CMAX + 16,), jnp.int32),
            pltpu.VMEM((_CMAX,), jnp.int32),
            pltpu.VMEM((_CMAX,), jnp.int32),
            pltpu.VMEM((kp,), jnp.int32),
            pltpu.VMEM((_K * 4,), jnp.float32),
            pltpu.VMEM((kp,), jnp.float32),
            pltpu.VMEM((kp,), jnp.int32),
        ],
    )(_sc_finish_kernel)
    olab, obox, osc, olay = fn(ckey, cidx, boxes_flat, layers_p, scale)
    return (olab[:, :_K], obox.reshape(_B, _K, 4), osc[:, :_K], olay[:, :_K])


def _tc_finish_kernel(ckey_ref, cidx_ref, boxes_ref, layers_ref, sizes_ref,
                      lab_ref, box_ref, sc_ref, lay_ref):
    ku = ckey_ref[0, 0]
    ki = lax.bitcast_convert_type(ku, jnp.int32)
    idx = cidx_ref[0, 0]

    ch = 128
    nt = _CMAX // ch

    rank = jnp.zeros((_CMAX,), jnp.int32)
    for t in range(nt):
        kj = ku[t * ch:(t + 1) * ch]
        ij = idx[t * ch:(t + 1) * ch]
        gt = (kj[None, :] > ku[:, None]) | (
            (kj[None, :] == ku[:, None]) & (ij[None, :] < idx[:, None]))
        rank = rank + jnp.sum(gt.astype(jnp.int32), axis=1)
    m = rank < _K

    b4 = boxes_ref[0]
    cxy = b4[:, 0:2]
    wh = b4[:, 2:4]
    p1 = cxy - 0.5 * wh
    p2 = cxy + 0.5 * wh
    sz = sizes_ref[0, 0].astype(jnp.float32)
    scale4 = jnp.concatenate([sz, sz], axis=0)
    xyxy = jnp.concatenate([p1, p2], axis=1) * scale4[None, :]
    lay_f = layers_ref[0].astype(jnp.float32)
    vals = jnp.concatenate([xyxy, lay_f], axis=1)

    q = idx // _C
    gs = []
    for t in range(nt):
        qt = q[t * ch:(t + 1) * ch]
        oh = (qt[:, None] == lax.broadcasted_iota(jnp.int32, (ch, _Q), 1)
              ).astype(jnp.float32)
        gs.append(jnp.dot(oh, vals, preferred_element_type=jnp.float32))
    g = jnp.concatenate(gs, axis=0)
    glay = g[:, 4].astype(jnp.int32)

    comb = jnp.where(m, glay * 1024 + rank, jnp.int32(1 << 20) + idx)
    pos = jnp.zeros((_CMAX,), jnp.int32)
    for t in range(nt):
        cj = comb[t * ch:(t + 1) * ch]
        pos = pos + jnp.sum((cj[None, :] < comb[:, None]).astype(jnp.int32),
                            axis=1)

    bits = jnp.where(ki < 0, ki & jnp.int32(0x7FFFFFFF), ~ki)
    logit = lax.bitcast_convert_type(bits, jnp.float32)
    logit = jnp.where(m, logit, 0.0)
    score = 1.0 / (1.0 + jnp.exp(-logit))
    lab = (idx - q * _C).astype(jnp.float32)

    data = jnp.concatenate(
        [g[:, 0:4], score[:, None], lab[:, None], g[:, 4:5]], axis=1)

    out = jnp.zeros((_K, 7), jnp.float32)
    for t in range(nt):
        pt = pos[t * ch:(t + 1) * ch]
        mt = m[t * ch:(t + 1) * ch]
        permt = ((pt[None, :] == lax.broadcasted_iota(jnp.int32, (_K, ch), 0))
                 & mt[None, :]).astype(jnp.float32)
        out = out + jnp.dot(permt, data[t * ch:(t + 1) * ch],
                            preferred_element_type=jnp.float32)

    lab_ref[0, 0] = out[:, 5].astype(jnp.int32)
    box_ref[0] = out[:, 0:4]
    sc_ref[0, 0] = out[:, 4]
    lay_ref[0, 0] = out[:, 6].astype(jnp.int32)


def _tc_finish(ckey, cidx, pred_boxes, pred_layers, orig_sizes):
    labels, boxes, scores, layers = pl.pallas_call(
        _tc_finish_kernel,
        grid=(_B,),
        compiler_params=pltpu.CompilerParams(vmem_limit_bytes=100 * 1024 * 1024),
        in_specs=[
            pl.BlockSpec((1, 1, _CMAX), lambda b: (b, 0, 0)),
            pl.BlockSpec((1, 1, _CMAX), lambda b: (b, 0, 0)),
            pl.BlockSpec((1, _Q, 4), lambda b: (b, 0, 0)),
            pl.BlockSpec((1, _Q, 1), lambda b: (b, 0, 0)),
            pl.BlockSpec((1, 1, 2), lambda b: (b, 0, 0)),
        ],
        out_specs=[
            pl.BlockSpec((1, 1, _K), lambda b: (b, 0, 0)),
            pl.BlockSpec((1, _K, 4), lambda b: (b, 0, 0)),
            pl.BlockSpec((1, 1, _K), lambda b: (b, 0, 0)),
            pl.BlockSpec((1, 1, _K), lambda b: (b, 0, 0)),
        ],
        out_shape=[
            jax.ShapeDtypeStruct((_B, 1, _K), jnp.int32),
            jax.ShapeDtypeStruct((_B, _K, 4), jnp.float32),
            jax.ShapeDtypeStruct((_B, 1, _K), jnp.float32),
            jax.ShapeDtypeStruct((_B, 1, _K), jnp.int32),
        ],
    )(ckey.reshape(_B, 1, _CMAX), cidx.reshape(_B, 1, _CMAX),
      pred_boxes, pred_layers, orig_sizes.reshape(_B, 1, 2))
    return (labels.reshape(_B, _K), boxes, scores.reshape(_B, _K),
            layers.reshape(_B, _K))


def kernel(pred_logits, pred_boxes, pred_layers, orig_target_sizes):
    logits_2d = pred_logits.reshape(_B, _FLAT)
    labels, boxes, scores, layers = _sc_all(
        logits_2d, pred_boxes, pred_layers, orig_target_sizes)
    return labels, boxes, scores, layers

# --- scband reference (transcript-rebuilt; emitter-appended) ---
"""Pipeline reference for scband-rtdetrpost-processor-59356448030808 (READ-ONLY COPY).

The authoritative reference and input builder live on the scoring server;
editing this copy changes nothing except your own understanding.
"""

import jax, jax.numpy as jnp
import numpy as np

NUM_CLASSES = 80
NUM_TOP_QUERIES = 300
B, Q = 128, 900


def box_cxcywh_to_xyxy(b):
    cx, cy, w, h = b[..., 0], b[..., 1], b[..., 2], b[..., 3]
    return jnp.stack([cx - 0.5 * w, cy - 0.5 * h, cx + 0.5 * w, cy + 0.5 * h], axis=-1)


def setup_inputs(seed: int = 0) -> dict:
    key = jax.random.key(seed)
    k1, k2, k3, k4 = jax.random.split(key, 4)
    pred_logits = jax.random.normal(k1, (B, Q, NUM_CLASSES), dtype=jnp.float32)
    pred_boxes = jax.random.uniform(k2, (B, Q, 4), dtype=jnp.float32)
    pred_layers = jax.random.randint(k3, (B, Q, 1), 0, 6, dtype=jnp.int32)
    orig_target_sizes = jax.random.randint(k4, (B, 2), 0, 1333, dtype=jnp.int32)
    return {"pred_logits": pred_logits, "pred_boxes": pred_boxes, "pred_layers": pred_layers, "orig_target_sizes": orig_target_sizes}


def reference(pred_logits, pred_boxes, pred_layers, orig_target_sizes):
    # box_convert cxcywh -> xyxy, then scale by original image sizes
    bbox_pred = box_cxcywh_to_xyxy(pred_boxes)
    sizes = jnp.tile(orig_target_sizes, (1, 2))[:, None, :].astype(bbox_pred.dtype)  # [B,1,4]
    bbox_pred = bbox_pred * sizes
    # focal-loss branch: sigmoid scores, flatten over (Q, C), global top-k
    scores = jax.nn.sigmoid(pred_logits)
    flat = scores.reshape(scores.shape[0], -1)  # [B, Q*C]
    topv, topi = jax.lax.top_k(flat, NUM_TOP_QUERIES)
    labels = topi % NUM_CLASSES
    index = topi // NUM_CLASSES
    boxes = jnp.take_along_axis(bbox_pred, index[..., None], axis=1)  # [B, 300, 4]
    out_layers = jnp.take_along_axis(pred_layers, index[..., None], axis=1)  # [B, 300, 1]
    # non-deploy path: per-image sort by layer id (vectorized over batch)
    lay = out_layers[..., 0]
    sort_idx = jnp.argsort(lay, axis=1)
    labels_s = jnp.take_along_axis(labels, sort_idx, axis=1)
    boxes_s = jnp.take_along_axis(boxes, sort_idx[..., None], axis=1)
    scores_s = jnp.take_along_axis(topv, sort_idx, axis=1)
    lay_s = jnp.take_along_axis(lay, sort_idx, axis=1)
    return labels_s, boxes_s, scores_s, lay_s

if __name__ == "__main__":
    import jax
    _d = setup_inputs()
    print(jax.jit(kernel)(*tuple(_d.values())))

</pallas_src>

<mosaic_0001>
#map = affine_map<(d0, d1) -> (0, 0)>
module attributes {stable_mosaic.version = 14 : i64} {
  func.func @_sc_all_kernel(%arg0: i32, %arg1: i32, %arg2: memref<128x72000xf32, #tpu.memory_space<hbm>>, %arg3: memref<128x3600xf32, #tpu.memory_space<hbm>>, %arg4: memref<128x1024xi32, #tpu.memory_space<hbm>>, %arg5: memref<128x16xf32, #tpu.memory_space<hbm>>, %arg6: memref<128x304xi32, #tpu.memory_space<hbm>>, %arg7: memref<128x1200xf32, #tpu.memory_space<hbm>>, %arg8: memref<128x304xf32, #tpu.memory_space<hbm>>, %arg9: memref<128x304xi32, #tpu.memory_space<hbm>>, %arg10: memref<72000xf32, #tpu.memory_space<vmem>>, %arg11: memref<32768xi32, #tpu.memory_space<vmem>>, %arg12: memref<400xi32, #tpu.memory_space<vmem>>, %arg13: memref<400xi32, #tpu.memory_space<vmem>>, %arg14: memref<1024xi32, #tpu.memory_space<vmem>>, %arg15: memref<3600xf32, #tpu.memory_space<vmem>>, %arg16: memref<16xf32, #tpu.memory_space<vmem>>, %arg17: memref<400xi32, #tpu.memory_space<vmem>>, %arg18: memref<384xi32, #tpu.memory_space<vmem>>, %arg19: memref<384xi32, #tpu.memory_space<vmem>>, %arg20: memref<304xi32, #tpu.memory_space<vmem>>, %arg21: memref<1200xf32, #tpu.memory_space<vmem>>, %arg22: memref<304xf32, #tpu.memory_space<vmem>>, %arg23: memref<304xi32, #tpu.memory_space<vmem>>) attributes {dimension_semantics = [#tpu.dimension_semantics<core_parallel>, #tpu.dimension_semantics<subcore_parallel>], iteration_bounds = array<i64: 2, 16>, scalar_prefetch = 0 : i64, scratch_operands = 14 : i64, tpu.core_type = #tpu.core_type<sc_vector_subcore>, window_params = [{transform_indices = #map}, {transform_indices = #map}, {transform_indices = #map}, {transform_indices = #map}, {transform_indices = #map}, {transform_indices = #map}, {transform_indices = #map}, {transform_indices = #map}]} {
    %mul3A = arith.constant 2 : i32
    %mul3A_0 = arith.muli %arg1, %mul3A : i32
    %add3A = arith.addi %mul3A_0, %arg0 : i32
    %scan3A = arith.constant 0 : i32
    %scan3A_1 = arith.constant 0 : i32
    %scan3A_2 = arith.constant 4 : i32
    %scan3A_3 = arith.addi %scan3A_1, %scan3A_2 : i32
    %scan3A_4 = arith.constant 1 : i32
    %scan3A_5 = scf.for %scan3A_7 = %scan3A_1 to %scan3A_3 step %scan3A_4 iter_args(%scan3A_8 = %scan3A) -> (i32)  : i32 {
      %mul3A_9 = arith.constant 32 : i32
      %mul3A_10 = arith.muli %scan3A_7, %mul3A_9 : i32
      %add3A_11 = arith.addi %mul3A_10, %add3A : i32
      "tpu.region"() ({
        %run_scoped3A = tpu.sem_alloc : memref<!tpu.dma_semaphore, #tpu.memory_space<semaphore_mem>>
        %dma_start3A = arith.constant 0 : i32
        %dma_start3A_101 = tpu.memref_slice %arg2[%add3A_11, %dma_start3A] : memref<128x72000xf32, #tpu.memory_space<hbm>> -> memref<1x72000xf32, #tpu.memory_space<hbm>>
        %dma_start3A_102 = tpu.memref_squeeze %dma_start3A_101 : memref<1x72000xf32, #tpu.memory_space<hbm>> -> memref<72000xf32, #tpu.memory_space<hbm>>
        %dma_start3A_103 = arith.constant 0 : i32
        %dma_start3A_104 = tpu.memref_slice %arg2[%add3A_11, %dma_start3A_103] : memref<128x72000xf32, #tpu.memory_space<hbm>> -> memref<1x72000xf32, #tpu.memory_space<hbm>>
        %dma_start3A_105 = tpu.memref_squeeze %dma_start3A_104 : memref<1x72000xf32, #tpu.memory_space<hbm>> -> memref<72000xf32, #tpu.memory_space<hbm>>
        tpu.enqueue_dma source(%dma_start3A_105 : memref<72000xf32, #tpu.memory_space<hbm>>) target(%arg10 : memref<72000xf32, #tpu.memory_space<vmem>>) target_semaphore(%run_scoped3A : memref<!tpu.dma_semaphore, #tpu.memory_space<semaphore_mem>>)
        %dma_wait3A = arith.constant 0 : i32
        %dma_wait3A_106 = tpu.memref_slice %arg2[%add3A_11, %dma_wait3A] : memref<128x72000xf32, #tpu.memory_space<hbm>> -> memref<1x72000xf32, #tpu.memory_space<hbm>>
        %dma_wait3A_107 = tpu.memref_squeeze %dma_wait3A_106 : memref<1x72000xf32, #tpu.memory_space<hbm>> -> memref<72000xf32, #tpu.memory_space<hbm>>
        %dma_wait3A_108 = arith.constant 0 : i32
        %dma_wait3A_109 = tpu.memref_slice %arg2[%add3A_11, %dma_wait3A_108] : memref<128x72000xf32, #tpu.memory_space<hbm>> -> memref<1x72000xf32, #tpu.memory_space<hbm>>
        %dma_wait3A_110 = tpu.memref_squeeze %dma_wait3A_109 : memref<1x72000xf32, #tpu.memory_space<hbm>> -> memref<72000xf32, #tpu.memory_space<hbm>>
        tpu.wait_dma2 semaphore(%run_scoped3A : memref<!tpu.dma_semaphore, #tpu.memory_space<semaphore_mem>>) src(%dma_wait3A_110 : memref<72000xf32, #tpu.memory_space<hbm>>) dst(%arg10 : memref<72000xf32, #tpu.memory_space<vmem>>)
        tpu.yield
      }) : () -> ()
      "tpu.region"() ({
        %run_scoped3A = tpu.sem_alloc : memref<!tpu.dma_semaphore, #tpu.memory_space<semaphore_mem>>
        %dma_start3A = arith.constant 0 : i32
        %dma_start3A_101 = tpu.memref_slice %arg4[%add3A_11, %dma_start3A] : memref<128x1024xi32, #tpu.memory_space<hbm>> -> memref<1x1024xi32, #tpu.memory_space<hbm>>
        %dma_start3A_102 = tpu.memref_squeeze %dma_start3A_101 : memref<1x1024xi32, #tpu.memory_space<hbm>> -> memref<1024xi32, #tpu.memory_space<hbm>>
        %dma_start3A_103 = arith.constant 0 : i32
        %dma_start3A_104 = tpu.memref_slice %arg4[%add3A_11, %dma_start3A_103] : memref<128x1024xi32, #tpu.memory_space<hbm>> -> memref<1x1024xi32, #tpu.memory_space<hbm>>
        %dma_start3A_105 = tpu.memref_squeeze %dma_start3A_104 : memref<1x1024xi32, #tpu.memory_space<hbm>> -> memref<1024xi32, #tpu.memory_space<hbm>>
        tpu.enqueue_dma source(%dma_start3A_105 : memref<1024xi32, #tpu.memory_space<hbm>>) target(%arg14 : memref<1024xi32, #tpu.memory_space<vmem>>) target_semaphore(%run_scoped3A : memref<!tpu.dma_semaphore, #tpu.memory_space<semaphore_mem>>)
        %dma_wait3A = arith.constant 0 : i32
        %dma_wait3A_106 = tpu.memref_slice %arg4[%add3A_11, %dma_wait3A] : memref<128x1024xi32, #tpu.memory_space<hbm>> -> memref<1x1024xi32, #tpu.memory_space<hbm>>
        %dma_wait3A_107 = tpu.memref_squeeze %dma_wait3A_106 : memref<1x1024xi32, #tpu.memory_space<hbm>> -> memref<1024xi32, #tpu.memory_space<hbm>>
        %dma_wait3A_108 = arith.constant 0 : i32
        %dma_wait3A_109 = tpu.memref_slice %arg4[%add3A_11, %dma_wait3A_108] : memref<128x1024xi32, #tpu.memory_space<hbm>> -> memref<1x1024xi32, #tpu.memory_space<hbm>>
        %dma_wait3A_110 = tpu.memref_squeeze %dma_wait3A_109 : memref<1x1024xi32, #tpu.memory_space<hbm>> -> memref<1024xi32, #tpu.memory_space<hbm>>
        tpu.wait_dma2 semaphore(%run_scoped3A : memref<!tpu.dma_semaphore, #tpu.memory_space<semaphore_mem>>) src(%dma_wait3A_110 : memref<1024xi32, #tpu.memory_space<hbm>>) dst(%arg14 : memref<1024xi32, #tpu.memory_space<vmem>>)
        tpu.yield
      }) : () -> ()
      "tpu.region"() ({
        %run_scoped3A = tpu.sem_alloc : memref<!tpu.dma_semaphore, #tpu.memory_space<semaphore_mem>>
        %dma_start3A = arith.constant 0 : i32
        %dma_start3A_101 = tpu.memref_slice %arg3[%add3A_11, %dma_start3A] : memref<128x3600xf32, #tpu.memory_space<hbm>> -> memref<1x3600xf32, #tpu.memory_space<hbm>>
        %dma_start3A_102 = tpu.memref_squeeze %dma_start3A_101 : memref<1x3600xf32, #tpu.memory_space<hbm>> -> memref<3600xf32, #tpu.memory_space<hbm>>
        %dma_start3A_103 = arith.constant 0 : i32
        %dma_start3A_104 = tpu.memref_slice %arg3[%add3A_11, %dma_start3A_103] : memref<128x3600xf32, #tpu.memory_space<hbm>> -> memref<1x3600xf32, #tpu.memory_space<hbm>>
        %dma_start3A_105 = tpu.memref_squeeze %dma_start3A_104 : memref<1x3600xf32, #tpu.memory_space<hbm>> -> memref<3600xf32, #tpu.memory_space<hbm>>
        tpu.enqueue_dma source(%dma_start3A_105 : memref<3600xf32, #tpu.memory_space<hbm>>) target(%arg15 : memref<3600xf32, #tpu.memory_space<vmem>>) target_semaphore(%run_scoped3A : memref<!tpu.dma_semaphore, #tpu.memory_space<semaphore_mem>>)
        %dma_wait3A = arith.constant 0 : i32
        %dma_wait3A_106 = tpu.memref_slice %arg3[%add3A_11, %dma_wait3A] : memref<128x3600xf32, #tpu.memory_space<hbm>> -> memref<1x3600xf32, #tpu.memory_space<hbm>>
        %dma_wait3A_107 = tpu.memref_squeeze %dma_wait3A_106 : memref<1x3600xf32, #tpu.memory_space<hbm>> -> memref<3600xf32, #tpu.memory_space<hbm>>
        %dma_wait3A_108 = arith.constant 0 : i32
        %dma_wait3A_109 = tpu.memref_slice %arg3[%add3A_11, %dma_wait3A_108] : memref<128x3600xf32, #tpu.memory_space<hbm>> -> memref<1x3600xf32, #tpu.memory_space<hbm>>
        %dma_wait3A_110 = tpu.memref_squeeze %dma_wait3A_109 : memref<1x3600xf32, #tpu.memory_space<hbm>> -> memref<3600xf32, #tpu.memory_space<hbm>>
        tpu.wait_dma2 semaphore(%run_scoped3A : memref<!tpu.dma_semaphore, #tpu.memory_space<semaphore_mem>>) src(%dma_wait3A_110 : memref<3600xf32, #tpu.memory_space<hbm>>) dst(%arg15 : memref<3600xf32, #tpu.memory_space<vmem>>)
        tpu.yield
      }) : () -> ()
      "tpu.region"() ({
        %run_scoped3A = tpu.sem_alloc : memref<!tpu.dma_semaphore, #tpu.memory_space<semaphore_mem>>
        %dma_start3A = arith.constant 0 : i32
        %dma_start3A_101 = tpu.memref_slice %arg5[%add3A_11, %dma_start3A] : memref<128x16xf32, #tpu.memory_space<hbm>> -> memref<1x16xf32, #tpu.memory_space<hbm>>
        %dma_start3A_102 = tpu.memref_squeeze %dma_start3A_101 : memref<1x16xf32, #tpu.memory_space<hbm>> -> memref<16xf32, #tpu.memory_space<hbm>>
        %dma_start3A_103 = arith.constant 0 : i32
        %dma_start3A_104 = tpu.memref_slice %arg5[%add3A_11, %dma_start3A_103] : memref<128x16xf32, #tpu.memory_space<hbm>> -> memref<1x16xf32, #tpu.memory_space<hbm>>
        %dma_start3A_105 = tpu.memref_squeeze %dma_start3A_104 : memref<1x16xf32, #tpu.memory_space<hbm>> -> memref<16xf32, #tpu.memory_space<hbm>>
        tpu.enqueue_dma source(%dma_start3A_105 : memref<16xf32, #tpu.memory_space<hbm>>) target(%arg16 : memref<16xf32, #tpu.memory_space<vmem>>) target_semaphore(%run_scoped3A : memref<!tpu.dma_semaphore, #tpu.memory_space<semaphore_mem>>)
        %dma_wait3A = arith.constant 0 : i32
        %dma_wait3A_106 = tpu.memref_slice %arg5[%add3A_11, %dma_wait3A] : memref<128x16xf32, #tpu.memory_space<hbm>> -> memref<1x16xf32, #tpu.memory_space<hbm>>
        %dma_wait3A_107 = tpu.memref_squeeze %dma_wait3A_106 : memref<1x16xf32, #tpu.memory_space<hbm>> -> memref<16xf32, #tpu.memory_space<hbm>>
        %dma_wait3A_108 = arith.constant 0 : i32
        %dma_wait3A_109 = tpu.memref_slice %arg5[%add3A_11, %dma_wait3A_108] : memref<128x16xf32, #tpu.memory_space<hbm>> -> memref<1x16xf32, #tpu.memory_space<hbm>>
        %dma_wait3A_110 = tpu.memref_squeeze %dma_wait3A_109 : memref<1x16xf32, #tpu.memory_space<hbm>> -> memref<16xf32, #tpu.memory_space<hbm>>
        tpu.wait_dma2 semaphore(%run_scoped3A : memref<!tpu.dma_semaphore, #tpu.memory_space<semaphore_mem>>) src(%dma_wait3A_110 : memref<16xf32, #tpu.memory_space<hbm>>) dst(%arg16 : memref<16xf32, #tpu.memory_space<vmem>>)
        tpu.yield
      }) : () -> ()
      %scan3A_12 = arith.constant 0 : i32
      %scan3A_13 = arith.constant 0 : i32
      %scan3A_14 = arith.constant 2048 : i32
      %scan3A_15 = arith.addi %scan3A_13, %scan3A_14 : i32
      %scan3A_16 = arith.constant 1 : i32
      scf.for %scan3A_101 = %scan3A_13 to %scan3A_15 step %scan3A_16  : i32 {
        %broadcast_in_dim3A = arith.constant 0 : i32
        %broadcast_in_dim3A_102 = vector.broadcast %broadcast_in_dim3A : i32 to vector<16xi32>
        %mul3A_103 = arith.constant 16 : i32
        %mul3A_104 = arith.muli %scan3A_101, %mul3A_103 : i32
        %swap3A = arith.index_cast %mul3A_104 : i32 to index
        %swap3A_105 = tpu.vector_load %arg11[%swap3A] {strides = array<i32>} : memref<32768xi32, #tpu.memory_space<vmem>>, vector<16xi32>,
        tpu.vector_store %arg11[%swap3A], %broadcast_in_dim3A_102 {strides = array<i32>} : memref<32768xi32, #tpu.memory_space<vmem>>, vector<16xi32>,
      }
      %scan3A_17 = arith.constant 2048 : i32
      %scan3A_18 = arith.constant 0 : i32
      %scan3A_19 = arith.constant 0 : i32
      %scan3A_20 = arith.constant 4500 : i32
      %scan3A_21 = arith.addi %scan3A_19, %scan3A_20 : i32
      %scan3A_22 = arith.constant 1 : i32
      scf.for %scan3A_101 = %scan3A_19 to %scan3A_21 step %scan3A_22  : i32 {
        %mul3A_102 = arith.constant 16 : i32
        %mul3A_103 = arith.muli %scan3A_101, %mul3A_102 : i32
        %get3A_104 = arith.index_cast %mul3A_103 : i32 to index
        %get3A_105 = tpu.vector_load %arg10[%get3A_104] {strides = array<i32>} : memref<72000xf32, #tpu.memory_space<vmem>>, vector<16xf32>,
        %bitcast_convert_type3A_106 = tpu.bitcast %get3A_105 : vector<16xf32> -> vector<16xi32>
        %shift_right_arithmetic3A = arith.constant 31 : i32
        %shift_right_arithmetic3A_107 = vector.broadcast %shift_right_arithmetic3A : i32 to vector<16xi32>
        %shift_right_arithmetic3A_108 = arith.shrsi %bitcast_convert_type3A_106, %shift_right_arithmetic3A_107 : vector<16xi32>
        %or3A_109 = arith.constant -2147483648 : i32
        %or3A_110 = vector.broadcast %or3A_109 : i32 to vector<16xi32>
        %or3A_111 = arith.ori %shift_right_arithmetic3A_108, %or3A_110 : vector<16xi32>
        %xor3A = arith.xori %bitcast_convert_type3A_106, %or3A_111 : vector<16xi32>
        %bitcast_convert_type3A_112 = tpu.bitcast %xor3A : vector<16xi32> -> vector<16xi32>
        %shift_right_logical3A = arith.constant 17 : i32
        %shift_right_logical3A_113 = vector.broadcast %shift_right_logical3A : i32 to vector<16xi32>
        %shift_right_logical3A_114 = arith.shrui %bitcast_convert_type3A_112, %shift_right_logical3A_113 : vector<16xi32>
        %bitcast_convert_type3A_115 = tpu.bitcast %shift_right_logical3A_114 : vector<16xi32> -> vector<16xi32>
        %broadcast_in_dim3A = arith.constant 1 : i32
        %broadcast_in_dim3A_116 = vector.broadcast %broadcast_in_dim3A : i32 to vector<16xi32>
        tpu.vector_store_idx %arg11[%bitcast_convert_type3A_115], %broadcast_in_dim3A_116 {add = true} : memref<32768xi32, #tpu.memory_space<vmem>>[vector<16xi32>], vector<16xi32>,
      }
      %scan3A_23 = arith.constant 4500 : i32
      %scan3A_24 = arith.constant 0 : i32
      %scan3A_25 = arith.constant -1 : i32
      %scan3A_26 = arith.constant 0 : i32
      %scan3A_27 = arith.constant 0 : i32
      %scan3A_28 = arith.constant 2048 : i32
      %scan3A_29 = arith.addi %scan3A_27, %scan3A_28 : i32
      %scan3A_30 = arith.constant 1 : i32
      %scan3A_31:3 = scf.for %scan3A_101 = %scan3A_27 to %scan3A_29 step %scan3A_30 iter_args(%scan3A_102 = %scan3A_24, %scan3A_103 = %scan3A_25, %scan3A_104 = %scan3A_26) -> (i32, i32, i32)  : i32 {
        %sub3A = arith.constant 2047 : i32
        %sub3A_105 = arith.subi %sub3A, %scan3A_101 : i32
        %mul3A_106 = arith.constant 16 : i32
        %mul3A_107 = arith.muli %sub3A_105, %mul3A_106 : i32
        %get3A_108 = arith.index_cast %mul3A_107 : i32 to index
        %get3A_109 = tpu.vector_load %arg11[%get3A_108] {strides = array<i32>} : memref<32768xi32, #tpu.memory_space<vmem>>, vector<16xi32>,
        %broadcast_in_dim3A = arith.constant true
        %broadcast_in_dim3A_110 = vector.broadcast %broadcast_in_dim3A : i1 to vector<16xi1>
        %masked_cumsum3A = tpu.scan <sum>, %get3A_109 masked %broadcast_in_dim3A_110 : vector<16xi32>, vector<16xi1> -> vector<16xi32>
        %reduce_sum3A = arith.constant true
        %reduce_sum3A_111 = vector.broadcast %reduce_sum3A : i1 to vector<16xi1>
        %reduce_sum3A_112 = tpu.scan <sum>, %get3A_109 masked %reduce_sum3A_111 : vector<16xi32>, vector<16xi1> -> vector<16xi32>
        %reduce_sum3A_113 = vector.extract %reduce_sum3A_112[15] : i32 from vector<16xi32>
        %sub3A_114 = vector.broadcast %reduce_sum3A_113 : i32 to vector<16xi32>
        %sub3A_115 = arith.subi %sub3A_114, %masked_cumsum3A : vector<16xi32>
        %add3A_116 = arith.addi %sub3A_115, %get3A_109 : vector<16xi32>
        %add3A_117 = vector.broadcast %scan3A_102 : i32 to vector<16xi32>
        %add3A_118 = arith.addi %add3A_117, %add3A_116 : vector<16xi32>
        %ge3A = arith.constant 300 : i32
        %ge3A_119 = vector.broadcast %ge3A : i32 to vector<16xi32>
        %ge3A_120 = arith.cmpi sge, %add3A_118, %ge3A_119 : vector<16xi32>
        %all_reduce_population_count3A = tpu.all_reduce %ge3A_120 {dim = 0 : i64, kind = #tpu.reduction_kind<sum>} : vector<16xi1> -> vector<16xi32>
        %reduce_max3A = arith.constant true
        %reduce_max3A_121 = vector.broadcast %reduce_max3A : i1 to vector<16xi1>
        %reduce_max3A_122 = arith.constant -2147483648 : i32
        %reduce_max3A_123 = vector.broadcast %reduce_max3A_122 : i32 to vector<16xi32>
        %reduce_max3A_124 = arith.xori %all_reduce_population_count3A, %reduce_max3A_123 : vector<16xi32>
        %reduce_max3A_125 = tpu.scan <max>, %reduce_max3A_124 masked %reduce_max3A_121 : vector<16xi32>, vector<16xi1> -> vector<16xi32>
        %reduce_max3A_126 = arith.xori %reduce_max3A_125, %reduce_max3A_123 : vector<16xi32>
        %reduce_max3A_127 = vector.extract %reduce_max3A_126[15] : i32 from vector<16xi32>
        %mul3A_128 = arith.constant 16 : i32
        %mul3A_129 = arith.muli %sub3A_105, %mul3A_128 : i32
        %add3A_130 = arith.addi %mul3A_129, %reduce_max3A_127 : i32
        %sub3A_131 = arith.constant 1 : i32
        %sub3A_132 = arith.subi %add3A_130, %sub3A_131 : i32
        %lt3A = arith.constant 0 : i32
        %lt3A_133 = arith.cmpi slt, %scan3A_103, %lt3A : i32
        %gt3A = arith.constant 0 : i32
        %gt3A_134 = arith.cmpi sgt, %reduce_max3A_127, %gt3A : i32
        %and3A = arith.andi %lt3A_133, %gt3A_134 : i1
        %iota3A = tpu.iota {dimensions = array<i32: 0>} : vector<16xi32>
        %sub3A_135 = arith.constant 1 : i32
        %sub3A_136 = arith.subi %reduce_max3A_127, %sub3A_135 : i32
        %eq3A = vector.broadcast %sub3A_136 : i32 to vector<16xi32>
        %eq3A_137 = arith.cmpi eq, %iota3A, %eq3A : vector<16xi32>
        %jit3A = arith.constant 0 : i32
        %broadcast_in_dim3A_138 = vector.broadcast %jit3A : i32 to vector<16xi32>
        %select_n3A = arith.select %eq3A_137, %masked_cumsum3A, %broadcast_in_dim3A_138 : vector<16xi1>, vector<16xi32>
        %reduce_max3A_139 = arith.constant true
        %reduce_max3A_140 = vector.broadcast %reduce_max3A_139 : i1 to vector<16xi1>
        %reduce_max3A_141 = arith.constant -2147483648 : i32
        %reduce_max3A_142 = vector.broadcast %reduce_max3A_141 : i32 to vector<16xi32>
        %reduce_max3A_143 = arith.xori %select_n3A, %reduce_max3A_142 : vector<16xi32>
        %reduce_max3A_144 = tpu.scan <max>, %reduce_max3A_143 masked %reduce_max3A_140 : vector<16xi32>, vector<16xi1> -> vector<16xi32>
        %reduce_max3A_145 = arith.xori %reduce_max3A_144, %reduce_max3A_142 : vector<16xi32>
        %reduce_max3A_146 = vector.extract %reduce_max3A_145[15] : i32 from vector<16xi32>
        %sub3A_147 = arith.subi %reduce_sum3A_113, %reduce_max3A_146 : i32
        %select_n3A_148 = arith.select %and3A, %sub3A_132, %scan3A_103 : i32
        %add3A_149 = arith.addi %scan3A_102, %sub3A_147 : i32
        %select_n3A_150 = arith.select %and3A, %add3A_149, %scan3A_104 : i32
        %add3A_151 = arith.addi %scan3A_102, %reduce_sum3A_113 : i32
        scf.yield %add3A_151, %select_n3A_148, %select_n3A_150 : i32, i32, i32
      }
      %scan3A_32 = arith.constant 2048 : i32
      %scan3A_33 = arith.constant 0 : i32
      %scan3A_34 = arith.constant 0 : i32
      %scan3A_35 = arith.constant 32 : i32
      %scan3A_36 = arith.addi %scan3A_34, %scan3A_35 : i32
      %scan3A_37 = arith.constant 1 : i32
      scf.for %scan3A_101 = %scan3A_34 to %scan3A_36 step %scan3A_37  : i32 {
        %broadcast_in_dim3A = arith.constant 0 : i32
        %broadcast_in_dim3A_102 = vector.broadcast %broadcast_in_dim3A : i32 to vector<16xi32>
        %mul3A_103 = arith.constant 16 : i32
        %mul3A_104 = arith.muli %scan3A_101, %mul3A_103 : i32
        %swap3A = arith.index_cast %mul3A_104 : i32 to index
        %swap3A_105 = tpu.vector_load %arg11[%swap3A] {strides = array<i32>} : memref<32768xi32, #tpu.memory_space<vmem>>, vector<16xi32>,
        tpu.vector_store %arg11[%swap3A], %broadcast_in_dim3A_102 {strides = array<i32>} : memref<32768xi32, #tpu.memory_space<vmem>>, vector<16xi32>,
      }
      %scan3A_38 = arith.constant 32 : i32
      %scan3A_39 = arith.constant 0 : i32
      %scan3A_40 = arith.constant 0 : i32
      %scan3A_41 = arith.constant 4500 : i32
      %scan3A_42 = arith.addi %scan3A_40, %scan3A_41 : i32
      %scan3A_43 = arith.constant 1 : i32
      scf.for %scan3A_101 = %scan3A_40 to %scan3A_42 step %scan3A_43  : i32 {
        %mul3A_102 = arith.constant 16 : i32
        %mul3A_103 = arith.muli %scan3A_101, %mul3A_102 : i32
        %get3A_104 = arith.index_cast %mul3A_103 : i32 to index
        %get3A_105 = tpu.vector_load %arg10[%get3A_104] {strides = array<i32>} : memref<72000xf32, #tpu.memory_space<vmem>>, vector<16xf32>,
        %bitcast_convert_type3A_106 = tpu.bitcast %get3A_105 : vector<16xf32> -> vector<16xi32>
        %shift_right_arithmetic3A = arith.constant 31 : i32
        %shift_right_arithmetic3A_107 = vector.broadcast %shift_right_arithmetic3A : i32 to vector<16xi32>
        %shift_right_arithmetic3A_108 = arith.shrsi %bitcast_convert_type3A_106, %shift_right_arithmetic3A_107 : vector<16xi32>
        %or3A_109 = arith.constant -2147483648 : i32
        %or3A_110 = vector.broadcast %or3A_109 : i32 to vector<16xi32>
        %or3A_111 = arith.ori %shift_right_arithmetic3A_108, %or3A_110 : vector<16xi32>
        %xor3A = arith.xori %bitcast_convert_type3A_106, %or3A_111 : vector<16xi32>
        %bitcast_convert_type3A_112 = tpu.bitcast %xor3A : vector<16xi32> -> vector<16xi32>
        %shift_right_logical3A = arith.constant 17 : i32
        %shift_right_logical3A_113 = vector.broadcast %shift_right_logical3A : i32 to vector<16xi32>
        %shift_right_logical3A_114 = arith.shrui %bitcast_convert_type3A_112, %shift_right_logical3A_113 : vector<16xi32>
        %eq3A = vector.broadcast %scan3A_31#1 : i32 to vector<16xi32>
        %eq3A_115 = arith.cmpi eq, %shift_right_logical3A_114, %eq3A : vector<16xi32>
        %shift_right_logical3A_116 = arith.constant 8 : i32
        %shift_right_logical3A_117 = vector.broadcast %shift_right_logical3A_116 : i32 to vector<16xi32>
        %shift_right_logical3A_118 = arith.shrui %bitcast_convert_type3A_112, %shift_right_logical3A_117 : vector<16xi32>
        %and3A = arith.constant 511 : i32
        %and3A_119 = vector.broadcast %and3A : i32 to vector<16xi32>
        %and3A_120 = arith.andi %shift_right_logical3A_118, %and3A_119 : vector<16xi32>
        %bitcast_convert_type3A_121 = tpu.bitcast %and3A_120 : vector<16xi32> -> vector<16xi32>
        %broadcast_in_dim3A = arith.constant 1 : i32
        %broadcast_in_dim3A_122 = vector.broadcast %broadcast_in_dim3A : i32 to vector<16xi32>
        tpu.vector_store_idx %arg11[%bitcast_convert_type3A_121], %broadcast_in_dim3A_122 masked %eq3A_115 {add = true} : memref<32768xi32, #tpu.memory_space<vmem>>[vector<16xi32>], vector<16xi32>, vector<16xi1>
      }
      %scan3A_44 = arith.constant 4500 : i32
      %scan3A_45 = arith.constant -1 : i32
      %scan3A_46 = arith.constant 0 : i32
      %scan3A_47 = arith.constant 32 : i32
      %scan3A_48 = arith.addi %scan3A_46, %scan3A_47 : i32
      %scan3A_49 = arith.constant 1 : i32
      %scan3A_50:2 = scf.for %scan3A_101 = %scan3A_46 to %scan3A_48 step %scan3A_49 iter_args(%scan3A_102 = %scan3A_31#2, %scan3A_103 = %scan3A_45) -> (i32, i32)  : i32 {
        %sub3A = arith.constant 31 : i32
        %sub3A_104 = arith.subi %sub3A, %scan3A_101 : i32
        %mul3A_105 = arith.constant 16 : i32
        %mul3A_106 = arith.muli %sub3A_104, %mul3A_105 : i32
        %get3A_107 = arith.index_cast %mul3A_106 : i32 to index
        %get3A_108 = tpu.vector_load %arg11[%get3A_107] {strides = array<i32>} : memref<32768xi32, #tpu.memory_space<vmem>>, vector<16xi32>,
        %broadcast_in_dim3A = arith.constant true
        %broadcast_in_dim3A_109 = vector.broadcast %broadcast_in_dim3A : i1 to vector<16xi1>
        %masked_cumsum3A = tpu.scan <sum>, %get3A_108 masked %broadcast_in_dim3A_109 : vector<16xi32>, vector<16xi1> -> vector<16xi32>
        %reduce_sum3A = arith.constant true
        %reduce_sum3A_110 = vector.broadcast %reduce_sum3A : i1 to vector<16xi1>
        %reduce_sum3A_111 = tpu.scan <sum>, %get3A_108 masked %reduce_sum3A_110 : vector<16xi32>, vector<16xi1> -> vector<16xi32>
        %reduce_sum3A_112 = vector.extract %reduce_sum3A_111[15] : i32 from vector<16xi32>
        %sub3A_113 = vector.broadcast %reduce_sum3A_112 : i32 to vector<16xi32>
        %sub3A_114 = arith.subi %sub3A_113, %masked_cumsum3A : vector<16xi32>
        %add3A_115 = arith.addi %sub3A_114, %get3A_108 : vector<16xi32>
        %add3A_116 = vector.broadcast %scan3A_102 : i32 to vector<16xi32>
        %add3A_117 = arith.addi %add3A_116, %add3A_115 : vector<16xi32>
        %ge3A = arith.constant 300 : i32
        %ge3A_118 = vector.broadcast %ge3A : i32 to vector<16xi32>
        %ge3A_119 = arith.cmpi sge, %add3A_117, %ge3A_118 : vector<16xi32>
        %all_reduce_population_count3A = tpu.all_reduce %ge3A_119 {dim = 0 : i64, kind = #tpu.reduction_kind<sum>} : vector<16xi1> -> vector<16xi32>
        %reduce_max3A = arith.constant true
        %reduce_max3A_120 = vector.broadcast %reduce_max3A : i1 to vector<16xi1>
        %reduce_max3A_121 = arith.constant -2147483648 : i32
        %reduce_max3A_122 = vector.broadcast %reduce_max3A_121 : i32 to vector<16xi32>
        %reduce_max3A_123 = arith.xori %all_reduce_population_count3A, %reduce_max3A_122 : vector<16xi32>
        %reduce_max3A_124 = tpu.scan <max>, %reduce_max3A_123 masked %reduce_max3A_120 : vector<16xi32>, vector<16xi1> -> vector<16xi32>
        %reduce_max3A_125 = arith.xori %reduce_max3A_124, %reduce_max3A_122 : vector<16xi32>
        %reduce_max3A_126 = vector.extract %reduce_max3A_125[15] : i32 from vector<16xi32>
        %mul3A_127 = arith.constant 16 : i32
        %mul3A_128 = arith.muli %sub3A_104, %mul3A_127 : i32
        %add3A_129 = arith.addi %mul3A_128, %reduce_max3A_126 : i32
        %sub3A_130 = arith.constant 1 : i32
        %sub3A_131 = arith.subi %add3A_129, %sub3A_130 : i32
        %ge3A_132 = arith.constant 0 : i32
        %ge3A_133 = arith.cmpi sge, %scan3A_103, %ge3A_132 : i32
        %gt3A = arith.constant 0 : i32
        %gt3A_134 = arith.cmpi sgt, %reduce_max3A_126, %gt3A : i32
        %jit3A = arith.constant -1 : i32
        %select_n3A = arith.select %gt3A_134, %sub3A_131, %jit3A : i32
        %select_n3A_135 = arith.select %ge3A_133, %scan3A_103, %select_n3A : i32
        %add3A_136 = arith.addi %scan3A_102, %reduce_sum3A_112 : i32
        scf.yield %add3A_136, %select_n3A_135 : i32, i32
      }
      %scan3A_51 = arith.constant 32 : i32
      %shift_left3A = arith.constant 17 : i32
      %shift_left3A_52 = arith.shli %scan3A_31#1, %shift_left3A : i32
      %shift_left3A_53 = arith.constant 8 : i32
      %shift_left3A_54 = arith.shli %scan3A_50#1, %shift_left3A_53 : i32
      %or3A = arith.ori %shift_left3A_52, %shift_left3A_54 : i32
      %bitcast_convert_type3A = arith.bitcast %or3A : i32 to i32
      %scan3A_55 = arith.constant 0 : i32
      %scan3A_56 = arith.constant 0 : i32
      %scan3A_57 = arith.constant 24 : i32
      %scan3A_58 = arith.addi %scan3A_56, %scan3A_57 : i32
      %scan3A_59 = arith.constant 1 : i32
      scf.for %scan3A_101 = %scan3A_56 to %scan3A_58 step %scan3A_59  : i32 {
        %broadcast_in_dim3A = arith.constant 0 : i32
        %broadcast_in_dim3A_102 = vector.broadcast %broadcast_in_dim3A : i32 to vector<16xi32>
        %mul3A_103 = arith.constant 16 : i32
        %mul3A_104 = arith.muli %scan3A_101, %mul3A_103 : i32
        %swap3A = arith.index_cast %mul3A_104 : i32 to index
        %swap3A_105 = tpu.vector_load %arg12[%swap3A] {strides = array<i32>} : memref<400xi32, #tpu.memory_space<vmem>>, vector<16xi32>,
        tpu.vector_store %arg12[%swap3A], %broadcast_in_dim3A_102 {strides = array<i32>} : memref<400xi32, #tpu.memory_space<vmem>>, vector<16xi32>,
        %mul3A_106 = arith.constant 16 : i32
        %mul3A_107 = arith.muli %scan3A_101, %mul3A_106 : i32
        %add3A_108 = arith.constant 72000 : i32
        %add3A_109 = arith.addi %add3A_108, %mul3A_107 : i32
        %iota3A = tpu.iota {dimensions = array<i32: 0>} : vector<16xi32>
        %add3A_110 = vector.broadcast %add3A_109 : i32 to vector<16xi32>
        %add3A_111 = arith.addi %add3A_110, %iota3A : vector<16xi32>
        %mul3A_112 = arith.constant 16 : i32
        %mul3A_113 = arith.muli %scan3A_101, %mul3A_112 : i32
        %swap3A_114 = arith.index_cast %mul3A_113 : i32 to index
        %swap3A_115 = tpu.vector_load %arg13[%swap3A_114] {strides = array<i32>} : memref<400xi32, #tpu.memory_space<vmem>>, vector<16xi32>,
        tpu.vector_store %arg13[%swap3A_114], %add3A_111 {strides = array<i32>} : memref<400xi32, #tpu.memory_space<vmem>>, vector<16xi32>,
      }
      %scan3A_60 = arith.constant 24 : i32
      %scan3A_61 = arith.constant 0 : i32
      %scan3A_62 = arith.constant 0 : i32
      %scan3A_63 = arith.constant 4500 : i32
      %scan3A_64 = arith.addi %scan3A_62, %scan3A_63 : i32
      %scan3A_65 = arith.constant 1 : i32
      %scan3A_66 = scf.for %scan3A_101 = %scan3A_62 to %scan3A_64 step %scan3A_65 iter_args(%scan3A_102 = %scan3A_61) -> (i32)  : i32 {
        %mul3A_103 = arith.constant 16 : i32
        %mul3A_104 = arith.muli %scan3A_101, %mul3A_103 : i32
        %get3A_105 = arith.index_cast %mul3A_104 : i32 to index
        %get3A_106 = tpu.vector_load %arg10[%get3A_105] {strides = array<i32>} : memref<72000xf32, #tpu.memory_space<vmem>>, vector<16xf32>,
        %bitcast_convert_type3A_107 = tpu.bitcast %get3A_106 : vector<16xf32> -> vector<16xi32>
        %shift_right_arithmetic3A = arith.constant 31 : i32
        %shift_right_arithmetic3A_108 = vector.broadcast %shift_right_arithmetic3A : i32 to vector<16xi32>
        %shift_right_arithmetic3A_109 = arith.shrsi %bitcast_convert_type3A_107, %shift_right_arithmetic3A_108 : vector<16xi32>
        %or3A_110 = arith.constant -2147483648 : i32
        %or3A_111 = vector.broadcast %or3A_110 : i32 to vector<16xi32>
        %or3A_112 = arith.ori %shift_right_arithmetic3A_109, %or3A_111 : vector<16xi32>
        %xor3A = arith.xori %bitcast_convert_type3A_107, %or3A_112 : vector<16xi32>
        %bitcast_convert_type3A_113 = tpu.bitcast %xor3A : vector<16xi32> -> vector<16xi32>
        %ge3A = vector.broadcast %bitcast_convert_type3A : i32 to vector<16xi32>
        %ge3A_114 = arith.cmpi uge, %bitcast_convert_type3A_113, %ge3A : vector<16xi32>
        %mul3A_115 = arith.constant 16 : i32
        %mul3A_116 = arith.muli %scan3A_101, %mul3A_115 : i32
        %iota3A = tpu.iota {dimensions = array<i32: 0>} : vector<16xi32>
        %add3A_117 = vector.broadcast %mul3A_116 : i32 to vector<16xi32>
        %add3A_118 = arith.addi %add3A_117, %iota3A : vector<16xi32>
        %swap3A = arith.index_cast %scan3A_102 : i32 to index
        %swap3A_119 = tpu.vector_load %arg12[%swap3A] masked %ge3A_114 {strides = array<i32>} : memref<400xi32, #tpu.memory_space<vmem>>, vector<16xi32>, vector<16xi1>
        tpu.vector_store %arg12[%swap3A], %bitcast_convert_type3A_113 masked %ge3A_114 {strides = array<i32>} : memref<400xi32, #tpu.memory_space<vmem>>, vector<16xi32>, vector<16xi1>
        %swap3A_120 = arith.index_cast %scan3A_102 : i32 to index
        %swap3A_121 = tpu.vector_load %arg13[%swap3A_120] masked %ge3A_114 {strides = array<i32>} : memref<400xi32, #tpu.memory_space<vmem>>, vector<16xi32>, vector<16xi1>
        tpu.vector_store %arg13[%swap3A_120], %add3A_118 masked %ge3A_114 {strides = array<i32>} : memref<400xi32, #tpu.memory_space<vmem>>, vector<16xi32>, vector<16xi1>
        %all_reduce_population_count3A = tpu.all_reduce %ge3A_114 {dim = 0 : i64, kind = #tpu.reduction_kind<sum>} : vector<16xi1> -> vector<16xi32>
        %reduce_max3A = arith.constant true
        %reduce_max3A_122 = vector.broadcast %reduce_max3A : i1 to vector<16xi1>
        %reduce_max3A_123 = arith.constant -2147483648 : i32
        %reduce_max3A_124 = vector.broadcast %reduce_max3A_123 : i32 to vector<16xi32>
        %reduce_max3A_125 = arith.xori %all_reduce_population_count3A, %reduce_max3A_124 : vector<16xi32>
        %reduce_max3A_126 = tpu.scan <max>, %reduce_max3A_125 masked %reduce_max3A_122 : vector<16xi32>, vector<16xi1> -> vector<16xi32>
        %reduce_max3A_127 = arith.xori %reduce_max3A_126, %reduce_max3A_124 : vector<16xi32>
        %reduce_max3A_128 = vector.extract %reduce_max3A_127[15] : i32 from vector<16xi32>
        %add3A_129 = arith.addi %scan3A_102, %reduce_max3A_128 : i32
        %min3A = arith.constant 368 : i32
        %min3A_130 = arith.minsi %add3A_129, %min3A : i32
        scf.yield %min3A_130 : i32
      }
      %scan3A_67 = arith.constant 4500 : i32
      %scan3A_68 = arith.constant 0 : i32
      %scan3A_69 = arith.constant 0 : i32
      %scan3A_70 = arith.constant 24 : i32
      %scan3A_71 = arith.addi %scan3A_69, %scan3A_70 : i32
      %scan3A_72 = arith.constant 1 : i32
      scf.for %scan3A_101 = %scan3A_69 to %scan3A_71 step %scan3A_72  : i32 {
        %mul3A_102 = arith.constant 16 : i32
        %mul3A_103 = arith.muli %scan3A_101, %mul3A_102 : i32
        %get3A_104 = arith.index_cast %mul3A_103 : i32 to index
        %get3A_105 = tpu.vector_load %arg13[%get3A_104] {strides = array<i32>} : memref<400xi32, #tpu.memory_space<vmem>>, vector<16xi32>,
        %jit3A = arith.constant 80 : i32
        %div3A = vector.broadcast %jit3A : i32 to vector<16xi32>
        %div3A_106 = arith.divsi %get3A_105, %div3A : vector<16xi32>
        %sign3A = arith.constant 0 : i32
        %sign3A_107 = vector.broadcast %sign3A : i32 to vector<16xi32>
        %sign3A_108 = arith.cmpi sgt, %get3A_105, %sign3A_107 : vector<16xi32>
        %sign3A_109 = arith.extui %sign3A_108 : vector<16xi1> to vector<16xi32>
        %sign3A_110 = arith.constant 0 : i32
        %sign3A_111 = vector.broadcast %sign3A_110 : i32 to vector<16xi32>
        %sign3A_112 = arith.cmpi slt, %get3A_105, %sign3A_111 : vector<16xi32>
        %sign3A_113 = arith.extui %sign3A_112 : vector<16xi1> to vector<16xi32>
        %sign3A_114 = arith.subi %sign3A_109, %sign3A_113 : vector<16xi32>
        %sign3A_115 = arith.constant 0 : i32
        %sign3A_116 = arith.cmpi sgt, %jit3A, %sign3A_115 : i32
        %sign3A_117 = arith.extui %sign3A_116 : i1 to i32
        %sign3A_118 = arith.constant 0 : i32
        %sign3A_119 = arith.cmpi slt, %jit3A, %sign3A_118 : i32
        %sign3A_120 = arith.extui %sign3A_119 : i1 to i32
        %sign3A_121 = arith.subi %sign3A_117, %sign3A_120 : i32
        %ne3A = vector.broadcast %sign3A_121 : i32 to vector<16xi32>
        %ne3A_122 = arith.cmpi ne, %sign3A_114, %ne3A : vector<16xi32>
        %rem3A = vector.broadcast %jit3A : i32 to vector<16xi32>
        %rem3A_123 = arith.remsi %get3A_105, %rem3A : vector<16xi32>
        %ne3A_124 = arith.constant 0 : i32
        %ne3A_125 = vector.broadcast %ne3A_124 : i32 to vector<16xi32>
        %ne3A_126 = arith.cmpi ne, %rem3A_123, %ne3A_125 : vector<16xi32>
        %and3A = arith.andi %ne3A_122, %ne3A_126 : vector<16xi1>
        %sub3A = arith.constant 1 : i32
        %sub3A_127 = vector.broadcast %sub3A : i32 to vector<16xi32>
        %sub3A_128 = arith.subi %div3A_106, %sub3A_127 : vector<16xi32>
        %select_n3A = arith.select %and3A, %sub3A_128, %div3A_106 : vector<16xi1>, vector<16xi32>
        %min3A = arith.constant 899 : i32
        %min3A_129 = vector.broadcast %min3A : i32 to vector<16xi32>
        %min3A_130 = arith.minsi %select_n3A, %min3A_129 : vector<16xi32>
        %gather3A = tpu.vector_load_idx %arg14[%min3A_130] : memref<1024xi32, #tpu.memory_space<vmem>>[vector<16xi32>], vector<16xi32>,
        %mul3A_131 = arith.constant 16 : i32
        %mul3A_132 = arith.muli %scan3A_101, %mul3A_131 : i32
        %swap3A = arith.index_cast %mul3A_132 : i32 to index
        %swap3A_133 = tpu.vector_load %arg18[%swap3A] {strides = array<i32>} : memref<384xi32, #tpu.memory_space<vmem>>, vector<16xi32>,
        tpu.vector_store %arg18[%swap3A], %gather3A {strides = array<i32>} : memref<384xi32, #tpu.memory_space<vmem>>, vector<16xi32>,
      }
      %scan3A_73 = arith.constant 24 : i32
      %scan3A_74 = arith.constant 0 : i32
      %scan3A_75 = arith.constant 0 : i32
      %scan3A_76 = arith.constant 24 : i32
      %scan3A_77 = arith.addi %scan3A_75, %scan3A_76 : i32
      %scan3A_78 = arith.constant 1 : i32
      scf.for %scan3A_101 = %scan3A_75 to %scan3A_77 step %scan3A_78  : i32 {
        %mul3A_102 = arith.constant 16 : i32
        %mul3A_103 = arith.muli %scan3A_101, %mul3A_102 : i32
        %get3A_104 = arith.index_cast %mul3A_103 : i32 to index
        %get3A_105 = tpu.vector_load %arg12[%get3A_104] {strides = array<i32>} : memref<400xi32, #tpu.memory_space<vmem>>, vector<16xi32>,
        %mul3A_106 = arith.constant 16 : i32
        %mul3A_107 = arith.muli %scan3A_101, %mul3A_106 : i32
        %get3A_108 = arith.index_cast %mul3A_107 : i32 to index
        %get3A_109 = tpu.vector_load %arg13[%get3A_108] {strides = array<i32>} : memref<400xi32, #tpu.memory_space<vmem>>, vector<16xi32>,
        %broadcast_in_dim3A = arith.constant 0 : i32
        %broadcast_in_dim3A_110 = vector.broadcast %broadcast_in_dim3A : i32 to vector<16xi32>
        %scan3A_111 = arith.constant 0 : i32
        %scan3A_112 = arith.constant 384 : i32
        %scan3A_113 = arith.addi %scan3A_111, %scan3A_112 : i32
        %scan3A_114 = arith.constant 1 : i32
        %scan3A_115 = scf.for %scan3A_120 = %scan3A_111 to %scan3A_113 step %scan3A_114 iter_args(%scan3A_121 = %broadcast_in_dim3A_110) -> (vector<16xi32>)  : i32 {
          %get3A_122 = arith.index_cast %scan3A_120 : i32 to index
          %get3A_123 = tpu.vector_load %arg12[%get3A_122] {strides = array<i32>} : memref<400xi32, #tpu.memory_space<vmem>>, vector<16xi32>,
          %slice3A_124 = vector.extract_strided_slice %get3A_123 {offsets = [0], sizes = [1], strides = [1]} : vector<16xi32> to vector<1xi32>
          %squeeze3A_125 = vector.extract %slice3A_124[0] : i32 from vector<1xi32>
          %get3A_126 = arith.index_cast %scan3A_120 : i32 to index
          %get3A_127 = tpu.vector_load %arg13[%get3A_126] {strides = array<i32>} : memref<400xi32, #tpu.memory_space<vmem>>, vector<16xi32>,
          %slice3A_128 = vector.extract_strided_slice %get3A_127 {offsets = [0], sizes = [1], strides = [1]} : vector<16xi32> to vector<1xi32>
          %squeeze3A_129 = vector.extract %slice3A_128[0] : i32 from vector<1xi32>
          %gt3A = vector.broadcast %squeeze3A_125 : i32 to vector<16xi32>
          %gt3A_130 = arith.cmpi ugt, %gt3A, %get3A_105 : vector<16xi32>
          %eq3A = vector.broadcast %squeeze3A_125 : i32 to vector<16xi32>
          %eq3A_131 = arith.cmpi eq, %eq3A, %get3A_105 : vector<16xi32>
          %lt3A = vector.broadcast %squeeze3A_129 : i32 to vector<16xi32>
          %lt3A_132 = arith.cmpi slt, %lt3A, %get3A_109 : vector<16xi32>
          %and3A = arith.andi %eq3A_131, %lt3A_132 : vector<16xi1>
          %or3A_133 = arith.ori %gt3A_130, %and3A : vector<16xi1>
          %convert_element_type3A = arith.extui %or3A_133 : vector<16xi1> to vector<16xi32>
          %add3A_134 = arith.addi %scan3A_121, %convert_element_type3A : vector<16xi32>
          scf.yield %add3A_134 : vector<16xi32>
        }
        %scan3A_116 = arith.constant 384 : i32
        %mul3A_117 = arith.constant 16 : i32
        %mul3A_118 = arith.muli %scan3A_101, %mul3A_117 : i32
        %swap3A = arith.index_cast %mul3A_118 : i32 to index
        %swap3A_119 = tpu.vector_load %arg17[%swap3A] {strides = array<i32>} : memref<400xi32, #tpu.memory_space<vmem>>, vector<16xi32>,
        tpu.vector_store %arg17[%swap3A], %scan3A_115 {strides = array<i32>} : memref<400xi32, #tpu.memory_space<vmem>>, vector<16xi32>,
      }
      %scan3A_79 = arith.constant 24 : i32
      %scan3A_80 = arith.constant 0 : i32
      %scan3A_81 = arith.constant 0 : i32
      %scan3A_82 = arith.constant 24 : i32
      %scan3A_83 = arith.addi %scan3A_81, %scan3A_82 : i32
      %scan3A_84 = arith.constant 1 : i32
      scf.for %scan3A_101 = %scan3A_81 to %scan3A_83 step %scan3A_84  : i32 {
        %mul3A_102 = arith.constant 16 : i32
        %mul3A_103 = arith.muli %scan3A_101, %mul3A_102 : i32
        %get3A_104 = arith.index_cast %mul3A_103 : i32 to index
        %get3A_105 = tpu.vector_load %arg17[%get3A_104] {strides = array<i32>} : memref<400xi32, #tpu.memory_space<vmem>>, vector<16xi32>,
        %lt3A = arith.constant 300 : i32
        %lt3A_106 = vector.broadcast %lt3A : i32 to vector<16xi32>
        %lt3A_107 = arith.cmpi slt, %get3A_105, %lt3A_106 : vector<16xi32>
        %mul3A_108 = arith.constant 16 : i32
        %mul3A_109 = arith.muli %scan3A_101, %mul3A_108 : i32
        %get3A_110 = arith.index_cast %mul3A_109 : i32 to index
        %get3A_111 = tpu.vector_load %arg18[%get3A_110] {strides = array<i32>} : memref<384xi32, #tpu.memory_space<vmem>>, vector<16xi32>,
        %mul3A_112 = arith.constant 1024 : i32
        %mul3A_113 = vector.broadcast %mul3A_112 : i32 to vector<16xi32>
        %mul3A_114 = arith.muli %get3A_111, %mul3A_113 : vector<16xi32>
        %add3A_115 = arith.addi %mul3A_114, %get3A_105 : vector<16xi32>
        %mul3A_116 = arith.constant 16 : i32
        %mul3A_117 = arith.muli %scan3A_101, %mul3A_116 : i32
        %get3A_118 = arith.index_cast %mul3A_117 : i32 to index
        %get3A_119 = tpu.vector_load %arg13[%get3A_118] {strides = array<i32>} : memref<400xi32, #tpu.memory_space<vmem>>, vector<16xi32>,
        %add3A_120 = arith.constant 1048576 : i32
        %add3A_121 = vector.broadcast %add3A_120 : i32 to vector<16xi32>
        %add3A_122 = arith.addi %add3A_121, %get3A_119 : vector<16xi32>
        %select_n3A = arith.select %lt3A_107, %add3A_115, %add3A_122 : vector<16xi1>, vector<16xi32>
        %mul3A_123 = arith.constant 16 : i32
        %mul3A_124 = arith.muli %scan3A_101, %mul3A_123 : i32
        %swap3A = arith.index_cast %mul3A_124 : i32 to index
        %swap3A_125 = tpu.vector_load %arg17[%swap3A] {strides = array<i32>} : memref<400xi32, #tpu.memory_space<vmem>>, vector<16xi32>,
        tpu.vector_store %arg17[%swap3A], %select_n3A {strides = array<i32>} : memref<400xi32, #tpu.memory_space<vmem>>, vector<16xi32>,
      }
      %scan3A_85 = arith.constant 24 : i32
      %scan3A_86 = arith.constant 0 : i32
      %scan3A_87 = arith.constant 0 : i32
      %scan3A_88 = arith.constant 24 : i32
      %scan3A_89 = arith.addi %scan3A_87, %scan3A_88 : i32
      %scan3A_90 = arith.constant 1 : i32
      scf.for %scan3A_101 = %scan3A_87 to %scan3A_89 step %scan3A_90  : i32 {
        %mul3A_102 = arith.constant 16 : i32
        %mul3A_103 = arith.muli %scan3A_101, %mul3A_102 : i32
        %get3A_104 = arith.index_cast %mul3A_103 : i32 to index
        %get3A_105 = tpu.vector_load %arg17[%get3A_104] {strides = array<i32>} : memref<400xi32, #tpu.memory_space<vmem>>, vector<16xi32>,
        %broadcast_in_dim3A = arith.constant 0 : i32
        %broadcast_in_dim3A_106 = vector.broadcast %broadcast_in_dim3A : i32 to vector<16xi32>
        %scan3A_107 = arith.constant 0 : i32
        %scan3A_108 = arith.constant 384 : i32
        %scan3A_109 = arith.addi %scan3A_107, %scan3A_108 : i32
        %scan3A_110 = arith.constant 1 : i32
        %scan3A_111 = scf.for %scan3A_116 = %scan3A_107 to %scan3A_109 step %scan3A_110 iter_args(%scan3A_117 = %broadcast_in_dim3A_106) -> (vector<16xi32>)  : i32 {
          %get3A_118 = arith.index_cast %scan3A_116 : i32 to index
          %get3A_119 = tpu.vector_load %arg17[%get3A_118] {strides = array<i32>} : memref<400xi32, #tpu.memory_space<vmem>>, vector<16xi32>,
          %slice3A_120 = vector.extract_strided_slice %get3A_119 {offsets = [0], sizes = [1], strides = [1]} : vector<16xi32> to vector<1xi32>
          %squeeze3A_121 = vector.extract %slice3A_120[0] : i32 from vector<1xi32>
          %lt3A = vector.broadcast %squeeze3A_121 : i32 to vector<16xi32>
          %lt3A_122 = arith.cmpi slt, %lt3A, %get3A_105 : vector<16xi32>
          %convert_element_type3A = arith.extui %lt3A_122 : vector<16xi1> to vector<16xi32>
          %add3A_123 = arith.addi %scan3A_117, %convert_element_type3A : vector<16xi32>
          scf.yield %add3A_123 : vector<16xi32>
        }
        %scan3A_112 = arith.constant 384 : i32
        %mul3A_113 = arith.constant 16 : i32
        %mul3A_114 = arith.muli %scan3A_101, %mul3A_113 : i32
        %swap3A = arith.index_cast %mul3A_114 : i32 to index
        %swap3A_115 = tpu.vector_load %arg19[%swap3A] {strides = array<i32>} : memref<384xi32, #tpu.memory_space<vmem>>, vector<16xi32>,
        tpu.vector_store %arg19[%swap3A], %scan3A_111 {strides = array<i32>} : memref<384xi32, #tpu.memory_space<vmem>>, vector<16xi32>,
      }
      %scan3A_91 = arith.constant 24 : i32
      %get3A = arith.constant 0 : index
      %get3A_92 = tpu.vector_load %arg16[%get3A] {strides = array<i32>} : memref<16xf32, #tpu.memory_space<vmem>>, vector<16xf32>,
      %slice3A = vector.extract_strided_slice %get3A_92 {offsets = [0], sizes = [1], strides = [1]} : vector<16xf32> to vector<1xf32>
      %squeeze3A = vector.extract %slice3A[0] : f32 from vector<1xf32>
      %slice3A_93 = vector.extract_strided_slice %get3A_92 {offsets = [1], sizes = [1], strides = [1]} : vector<16xf32> to vector<1xf32>
      %squeeze3A_94 = vector.extract %slice3A_93[0] : f32 from vector<1xf32>
      %scan3A_95 = arith.constant 0 : i32
      %scan3A_96 = arith.constant 0 : i32
      %scan3A_97 = arith.constant 24 : i32
      %scan3A_98 = arith.addi %scan3A_96, %scan3A_97 : i32
      %scan3A_99 = arith.constant 1 : i32
      scf.for %scan3A_101 = %scan3A_96 to %scan3A_98 step %scan3A_99  : i32 {
        %mul3A_102 = arith.constant 16 : i32
        %mul3A_103 = arith.muli %scan3A_101, %mul3A_102 : i32
        %get3A_104 = arith.index_cast %mul3A_103 : i32 to index
        %get3A_105 = tpu.vector_load %arg19[%get3A_104] {strides = array<i32>} : memref<384xi32, #tpu.memory_space<vmem>>, vector<16xi32>,
        %lt3A = arith.constant 300 : i32
        %lt3A_106 = vector.broadcast %lt3A : i32 to vector<16xi32>
        %lt3A_107 = arith.cmpi slt, %get3A_105, %lt3A_106 : vector<16xi32>
        %min3A = arith.constant 299 : i32
        %min3A_108 = vector.broadcast %min3A : i32 to vector<16xi32>
        %min3A_109 = arith.minsi %get3A_105, %min3A_108 : vector<16xi32>
        %mul3A_110 = arith.constant 16 : i32
        %mul3A_111 = arith.muli %scan3A_101, %mul3A_110 : i32
        %get3A_112 = arith.index_cast %mul3A_111 : i32 to index
        %get3A_113 = tpu.vector_load %arg13[%get3A_112] {strides = array<i32>} : memref<400xi32, #tpu.memory_space<vmem>>, vector<16xi32>,
        %jit3A = arith.constant 80 : i32
        %div3A = vector.broadcast %jit3A : i32 to vector<16xi32>
        %div3A_114 = arith.divsi %get3A_113, %div3A : vector<16xi32>
        %sign3A = arith.constant 0 : i32
        %sign3A_115 = vector.broadcast %sign3A : i32 to vector<16xi32>
        %sign3A_116 = arith.cmpi sgt, %get3A_113, %sign3A_115 : vector<16xi32>
        %sign3A_117 = arith.extui %sign3A_116 : vector<16xi1> to vector<16xi32>
        %sign3A_118 = arith.constant 0 : i32
        %sign3A_119 = vector.broadcast %sign3A_118 : i32 to vector<16xi32>
        %sign3A_120 = arith.cmpi slt, %get3A_113, %sign3A_119 : vector<16xi32>
        %sign3A_121 = arith.extui %sign3A_120 : vector<16xi1> to vector<16xi32>
        %sign3A_122 = arith.subi %sign3A_117, %sign3A_121 : vector<16xi32>
        %sign3A_123 = arith.constant 0 : i32
        %sign3A_124 = arith.cmpi sgt, %jit3A, %sign3A_123 : i32
        %sign3A_125 = arith.extui %sign3A_124 : i1 to i32
        %sign3A_126 = arith.constant 0 : i32
        %sign3A_127 = arith.cmpi slt, %jit3A, %sign3A_126 : i32
        %sign3A_128 = arith.extui %sign3A_127 : i1 to i32
        %sign3A_129 = arith.subi %sign3A_125, %sign3A_128 : i32
        %ne3A = vector.broadcast %sign3A_129 : i32 to vector<16xi32>
        %ne3A_130 = arith.cmpi ne, %sign3A_122, %ne3A : vector<16xi32>
        %rem3A = vector.broadcast %jit3A : i32 to vector<16xi32>
        %rem3A_131 = arith.remsi %get3A_113, %rem3A : vector<16xi32>
        %ne3A_132 = arith.constant 0 : i32
        %ne3A_133 = vector.broadcast %ne3A_132 : i32 to vector<16xi32>
        %ne3A_134 = arith.cmpi ne, %rem3A_131, %ne3A_133 : vector<16xi32>
        %and3A = arith.andi %ne3A_130, %ne3A_134 : vector<16xi1>
        %sub3A = arith.constant 1 : i32
        %sub3A_135 = vector.broadcast %sub3A : i32 to vector<16xi32>
        %sub3A_136 = arith.subi %div3A_114, %sub3A_135 : vector<16xi32>
        %select_n3A = arith.select %and3A, %sub3A_136, %div3A_114 : vector<16xi1>, vector<16xi32>
        %min3A_137 = arith.constant 899 : i32
        %min3A_138 = vector.broadcast %min3A_137 : i32 to vector<16xi32>
        %min3A_139 = arith.minsi %select_n3A, %min3A_138 : vector<16xi32>
        %mul3A_140 = arith.constant 80 : i32
        %mul3A_141 = vector.broadcast %mul3A_140 : i32 to vector<16xi32>
        %mul3A_142 = arith.muli %min3A_139, %mul3A_141 : vector<16xi32>
        %sub3A_143 = arith.subi %get3A_113, %mul3A_142 : vector<16xi32>
        tpu.vector_store_idx %arg20[%min3A_109], %sub3A_143 masked %lt3A_107 : memref<304xi32, #tpu.memory_space<vmem>>[vector<16xi32>], vector<16xi32>, vector<16xi1>
        %mul3A_144 = arith.constant 16 : i32
        %mul3A_145 = arith.muli %scan3A_101, %mul3A_144 : i32
        %get3A_146 = arith.index_cast %mul3A_145 : i32 to index
        %get3A_147 = tpu.vector_load %arg18[%get3A_146] {strides = array<i32>} : memref<384xi32, #tpu.memory_space<vmem>>, vector<16xi32>,
        tpu.vector_store_idx %arg23[%min3A_109], %get3A_147 masked %lt3A_107 : memref<304xi32, #tpu.memory_space<vmem>>[vector<16xi32>], vector<16xi32>, vector<16xi1>
        %mul3A_148 = arith.constant 16 : i32
        %mul3A_149 = arith.muli %scan3A_101, %mul3A_148 : i32
        %get3A_150 = arith.index_cast %mul3A_149 : i32 to index
        %get3A_151 = tpu.vector_load %arg12[%get3A_150] {strides = array<i32>} : memref<400xi32, #tpu.memory_space<vmem>>, vector<16xi32>,
        %bitcast_convert_type3A_152 = tpu.bitcast %get3A_151 : vector<16xi32> -> vector<16xi32>
        %lt3A_153 = arith.constant 0 : i32
        %lt3A_154 = vector.broadcast %lt3A_153 : i32 to vector<16xi32>
        %lt3A_155 = arith.cmpi slt, %bitcast_convert_type3A_152, %lt3A_154 : vector<16xi32>
        %and3A_156 = arith.constant 2147483647 : i32
        %and3A_157 = vector.broadcast %and3A_156 : i32 to vector<16xi32>
        %and3A_158 = arith.andi %bitcast_convert_type3A_152, %and3A_157 : vector<16xi32>
        %not3A = arith.constant dense<-1> : vector<16xi32>
        %not3A_159 = arith.xori %bitcast_convert_type3A_152, %not3A : vector<16xi32>
        %select_n3A_160 = arith.select %lt3A_155, %and3A_158, %not3A_159 : vector<16xi1>, vector<16xi32>
        %bitcast_convert_type3A_161 = tpu.bitcast %select_n3A_160 : vector<16xi32> -> vector<16xf32>
        %neg3A = arith.constant 0.000000e+00 : f32
        %neg3A_162 = vector.broadcast %neg3A : f32 to vector<16xf32>
        %neg3A_163 = arith.subf %neg3A_162, %bitcast_convert_type3A_161 : vector<16xf32>
        %exp3A = math.exp %neg3A_163 : vector<16xf32>
        %add3A_164 = arith.constant 1.000000e+00 : f32
        %add3A_165 = vector.broadcast %add3A_164 : f32 to vector<16xf32>
        %add3A_166 = arith.addf %add3A_165, %exp3A : vector<16xf32>
        %div3A_167 = arith.constant 1.000000e+00 : f32
        %div3A_168 = vector.broadcast %div3A_167 : f32 to vector<16xf32>
        %div3A_169 = arith.divf %div3A_168, %add3A_166 : vector<16xf32>
        tpu.vector_store_idx %arg22[%min3A_109], %div3A_169 masked %lt3A_107 : memref<304xf32, #tpu.memory_space<vmem>>[vector<16xi32>], vector<16xf32>, vector<16xi1>
        %mul3A_170 = arith.constant 4 : i32
        %mul3A_171 = vector.broadcast %mul3A_170 : i32 to vector<16xi32>
        %mul3A_172 = arith.muli %min3A_139, %mul3A_171 : vector<16xi32>
        %gather3A = tpu.vector_load_idx %arg15[%mul3A_172] : memref<3600xf32, #tpu.memory_space<vmem>>[vector<16xi32>], vector<16xf32>,
        %add3A_173 = arith.constant 1 : i32
        %add3A_174 = vector.broadcast %add3A_173 : i32 to vector<16xi32>
        %add3A_175 = arith.addi %mul3A_172, %add3A_174 : vector<16xi32>
        %gather3A_176 = tpu.vector_load_idx %arg15[%add3A_175] : memref<3600xf32, #tpu.memory_space<vmem>>[vector<16xi32>], vector<16xf32>,
        %add3A_177 = arith.constant 2 : i32
        %add3A_178 = vector.broadcast %add3A_177 : i32 to vector<16xi32>
        %add3A_179 = arith.addi %mul3A_172, %add3A_178 : vector<16xi32>
        %gather3A_180 = tpu.vector_load_idx %arg15[%add3A_179] : memref<3600xf32, #tpu.memory_space<vmem>>[vector<16xi32>], vector<16xf32>,
        %add3A_181 = arith.constant 3 : i32
        %add3A_182 = vector.broadcast %add3A_181 : i32 to vector<16xi32>
        %add3A_183 = arith.addi %mul3A_172, %add3A_182 : vector<16xi32>
        %gather3A_184 = tpu.vector_load_idx %arg15[%add3A_183] : memref<3600xf32, #tpu.memory_space<vmem>>[vector<16xi32>], vector<16xf32>,
        %mul3A_185 = arith.constant 4 : i32
        %mul3A_186 = vector.broadcast %mul3A_185 : i32 to vector<16xi32>
        %mul3A_187 = arith.muli %min3A_109, %mul3A_186 : vector<16xi32>
        %mul3A_188 = arith.constant 5.000000e-01 : f32
        %mul3A_189 = vector.broadcast %mul3A_188 : f32 to vector<16xf32>
        %mul3A_190 = arith.mulf %mul3A_189, %gather3A_180 : vector<16xf32>
        %sub3A_191 = arith.subf %gather3A, %mul3A_190 : vector<16xf32>
        %mul3A_192 = vector.broadcast %squeeze3A : f32 to vector<16xf32>
        %mul3A_193 = arith.mulf %sub3A_191, %mul3A_192 : vector<16xf32>
        tpu.vector_store_idx %arg21[%mul3A_187], %mul3A_193 masked %lt3A_107 : memref<1200xf32, #tpu.memory_space<vmem>>[vector<16xi32>], vector<16xf32>, vector<16xi1>
        %add3A_194 = arith.constant 1 : i32
        %add3A_195 = vector.broadcast %add3A_194 : i32 to vector<16xi32>
        %add3A_196 = arith.addi %mul3A_187, %add3A_195 : vector<16xi32>
        %mul3A_197 = arith.constant 5.000000e-01 : f32
        %mul3A_198 = vector.broadcast %mul3A_197 : f32 to vector<16xf32>
        %mul3A_199 = arith.mulf %mul3A_198, %gather3A_184 : vector<16xf32>
        %sub3A_200 = arith.subf %gather3A_176, %mul3A_199 : vector<16xf32>
        %mul3A_201 = vector.broadcast %squeeze3A_94 : f32 to vector<16xf32>
        %mul3A_202 = arith.mulf %sub3A_200, %mul3A_201 : vector<16xf32>
        tpu.vector_store_idx %arg21[%add3A_196], %mul3A_202 masked %lt3A_107 : memref<1200xf32, #tpu.memory_space<vmem>>[vector<16xi32>], vector<16xf32>, vector<16xi1>
        %add3A_203 = arith.constant 2 : i32
        %add3A_204 = vector.broadcast %add3A_203 : i32 to vector<16xi32>
        %add3A_205 = arith.addi %mul3A_187, %add3A_204 : vector<16xi32>
        %mul3A_206 = arith.constant 5.000000e-01 : f32
        %mul3A_207 = vector.broadcast %mul3A_206 : f32 to vector<16xf32>
        %mul3A_208 = arith.mulf %mul3A_207, %gather3A_180 : vector<16xf32>
        %add3A_209 = arith.addf %gather3A, %mul3A_208 : vector<16xf32>
        %mul3A_210 = vector.broadcast %squeeze3A : f32 to vector<16xf32>
        %mul3A_211 = arith.mulf %add3A_209, %mul3A_210 : vector<16xf32>
        tpu.vector_store_idx %arg21[%add3A_205], %mul3A_211 masked %lt3A_107 : memref<1200xf32, #tpu.memory_space<vmem>>[vector<16xi32>], vector<16xf32>, vector<16xi1>
        %add3A_212 = arith.constant 3 : i32
        %add3A_213 = vector.broadcast %add3A_212 : i32 to vector<16xi32>
        %add3A_214 = arith.addi %mul3A_187, %add3A_213 : vector<16xi32>
        %mul3A_215 = arith.constant 5.000000e-01 : f32
        %mul3A_216 = vector.broadcast %mul3A_215 : f32 to vector<16xf32>
        %mul3A_217 = arith.mulf %mul3A_216, %gather3A_184 : vector<16xf32>
        %add3A_218 = arith.addf %gather3A_176, %mul3A_217 : vector<16xf32>
        %mul3A_219 = vector.broadcast %squeeze3A_94 : f32 to vector<16xf32>
        %mul3A_220 = arith.mulf %add3A_218, %mul3A_219 : vector<16xf32>
        tpu.vector_store_idx %arg21[%add3A_214], %mul3A_220 masked %lt3A_107 : memref<1200xf32, #tpu.memory_space<vmem>>[vector<16xi32>], vector<16xf32>, vector<16xi1>
      }
      %scan3A_100 = arith.constant 24 : i32
      "tpu.region"() ({
        %run_scoped3A = tpu.sem_alloc : memref<!tpu.dma_semaphore, #tpu.memory_space<semaphore_mem>>
        %dma_start3A = arith.constant 0 : i32
        %dma_start3A_101 = tpu.memref_slice %arg6[%add3A_11, %dma_start3A] : memref<128x304xi32, #tpu.memory_space<hbm>> -> memref<1x304xi32, #tpu.memory_space<hbm>>
        %dma_start3A_102 = tpu.memref_squeeze %dma_start3A_101 : memref<1x304xi32, #tpu.memory_space<hbm>> -> memref<304xi32, #tpu.memory_space<hbm>>
        %dma_start3A_103 = arith.constant 0 : i32
        %dma_start3A_104 = tpu.memref_slice %arg6[%add3A_11, %dma_start3A_103] : memref<128x304xi32, #tpu.memory_space<hbm>> -> memref<1x304xi32, #tpu.memory_space<hbm>>
        %dma_start3A_105 = tpu.memref_squeeze %dma_start3A_104 : memref<1x304xi32, #tpu.memory_space<hbm>> -> memref<304xi32, #tpu.memory_space<hbm>>
        tpu.enqueue_dma source(%arg20 : memref<304xi32, #tpu.memory_space<vmem>>) target(%dma_start3A_105 : memref<304xi32, #tpu.memory_space<hbm>>) target_semaphore(%run_scoped3A : memref<!tpu.dma_semaphore, #tpu.memory_space<semaphore_mem>>)
        %dma_wait3A = arith.constant 0 : i32
        %dma_wait3A_106 = tpu.memref_slice %arg6[%add3A_11, %dma_wait3A] : memref<128x304xi32, #tpu.memory_space<hbm>> -> memref<1x304xi32, #tpu.memory_space<hbm>>
        %dma_wait3A_107 = tpu.memref_squeeze %dma_wait3A_106 : memref<1x304xi32, #tpu.memory_space<hbm>> -> memref<304xi32, #tpu.memory_space<hbm>>
        %dma_wait3A_108 = arith.constant 0 : i32
        %dma_wait3A_109 = tpu.memref_slice %arg6[%add3A_11, %dma_wait3A_108] : memref<128x304xi32, #tpu.memory_space<hbm>> -> memref<1x304xi32, #tpu.memory_space<hbm>>
        %dma_wait3A_110 = tpu.memref_squeeze %dma_wait3A_109 : memref<1x304xi32, #tpu.memory_space<hbm>> -> memref<304xi32, #tpu.memory_space<hbm>>
        tpu.wait_dma2 semaphore(%run_scoped3A : memref<!tpu.dma_semaphore, #tpu.memory_space<semaphore_mem>>) src(%arg20 : memref<304xi32, #tpu.memory_space<vmem>>) dst(%dma_wait3A_110 : memref<304xi32, #tpu.memory_space<hbm>>)
        tpu.yield
      }) : () -> ()
      "tpu.region"() ({
        %run_scoped3A = tpu.sem_alloc : memref<!tpu.dma_semaphore, #tpu.memory_space<semaphore_mem>>
        %dma_start3A = arith.constant 0 : i32
        %dma_start3A_101 = tpu.memref_slice %arg7[%add3A_11, %dma_start3A] : memref<128x1200xf32, #tpu.memory_space<hbm>> -> memref<1x1200xf32, #tpu.memory_space<hbm>>
        %dma_start3A_102 = tpu.memref_squeeze %dma_start3A_101 : memref<1x1200xf32, #tpu.memory_space<hbm>> -> memref<1200xf32, #tpu.memory_space<hbm>>
        %dma_start3A_103 = arith.constant 0 : i32
        %dma_start3A_104 = tpu.memref_slice %arg7[%add3A_11, %dma_start3A_103] : memref<128x1200xf32, #tpu.memory_space<hbm>> -> memref<1x1200xf32, #tpu.memory_space<hbm>>
        %dma_start3A_105 = tpu.memref_squeeze %dma_start3A_104 : memref<1x1200xf32, #tpu.memory_space<hbm>> -> memref<1200xf32, #tpu.memory_space<hbm>>
        tpu.enqueue_dma source(%arg21 : memref<1200xf32, #tpu.memory_space<vmem>>) target(%dma_start3A_105 : memref<1200xf32, #tpu.memory_space<hbm>>) target_semaphore(%run_scoped3A : memref<!tpu.dma_semaphore, #tpu.memory_space<semaphore_mem>>)
        %dma_wait3A = arith.constant 0 : i32
        %dma_wait3A_106 = tpu.memref_slice %arg7[%add3A_11, %dma_wait3A] : memref<128x1200xf32, #tpu.memory_space<hbm>> -> memref<1x1200xf32, #tpu.memory_space<hbm>>
        %dma_wait3A_107 = tpu.memref_squeeze %dma_wait3A_106 : memref<1x1200xf32, #tpu.memory_space<hbm>> -> memref<1200xf32, #tpu.memory_space<hbm>>
        %dma_wait3A_108 = arith.constant 0 : i32
        %dma_wait3A_109 = tpu.memref_slice %arg7[%add3A_11, %dma_wait3A_108] : memref<128x1200xf32, #tpu.memory_space<hbm>> -> memref<1x1200xf32, #tpu.memory_space<hbm>>
        %dma_wait3A_110 = tpu.memref_squeeze %dma_wait3A_109 : memref<1x1200xf32, #tpu.memory_space<hbm>> -> memref<1200xf32, #tpu.memory_space<hbm>>
        tpu.wait_dma2 semaphore(%run_scoped3A : memref<!tpu.dma_semaphore, #tpu.memory_space<semaphore_mem>>) src(%arg21 : memref<1200xf32, #tpu.memory_space<vmem>>) dst(%dma_wait3A_110 : memref<1200xf32, #tpu.memory_space<hbm>>)
        tpu.yield
      }) : () -> ()
      "tpu.region"() ({
        %run_scoped3A = tpu.sem_alloc : memref<!tpu.dma_semaphore, #tpu.memory_space<semaphore_mem>>
        %dma_start3A = arith.constant 0 : i32
        %dma_start3A_101 = tpu.memref_slice %arg8[%add3A_11, %dma_start3A] : memref<128x304xf32, #tpu.memory_space<hbm>> -> memref<1x304xf32, #tpu.memory_space<hbm>>
        %dma_start3A_102 = tpu.memref_squeeze %dma_start3A_101 : memref<1x304xf32, #tpu.memory_space<hbm>> -> memref<304xf32, #tpu.memory_space<hbm>>
        %dma_start3A_103 = arith.constant 0 : i32
        %dma_start3A_104 = tpu.memref_slice %arg8[%add3A_11, %dma_start3A_103] : memref<128x304xf32, #tpu.memory_space<hbm>> -> memref<1x304xf32, #tpu.memory_space<hbm>>
        %dma_start3A_105 = tpu.memref_squeeze %dma_start3A_104 : memref<1x304xf32, #tpu.memory_space<hbm>> -> memref<304xf32, #tpu.memory_space<hbm>>
        tpu.enqueue_dma source(%arg22 : memref<304xf32, #tpu.memory_space<vmem>>) target(%dma_start3A_105 : memref<304xf32, #tpu.memory_space<hbm>>) target_semaphore(%run_scoped3A : memref<!tpu.dma_semaphore, #tpu.memory_space<semaphore_mem>>)
        %dma_wait3A = arith.constant 0 : i32
        %dma_wait3A_106 = tpu.memref_slice %arg8[%add3A_11, %dma_wait3A] : memref<128x304xf32, #tpu.memory_space<hbm>> -> memref<1x304xf32, #tpu.memory_space<hbm>>
        %dma_wait3A_107 = tpu.memref_squeeze %dma_wait3A_106 : memref<1x304xf32, #tpu.memory_space<hbm>> -> memref<304xf32, #tpu.memory_space<hbm>>
        %dma_wait3A_108 = arith.constant 0 : i32
        %dma_wait3A_109 = tpu.memref_slice %arg8[%add3A_11, %dma_wait3A_108] : memref<128x304xf32, #tpu.memory_space<hbm>> -> memref<1x304xf32, #tpu.memory_space<hbm>>
        %dma_wait3A_110 = tpu.memref_squeeze %dma_wait3A_109 : memref<1x304xf32, #tpu.memory_space<hbm>> -> memref<304xf32, #tpu.memory_space<hbm>>
        tpu.wait_dma2 semaphore(%run_scoped3A : memref<!tpu.dma_semaphore, #tpu.memory_space<semaphore_mem>>) src(%arg22 : memref<304xf32, #tpu.memory_space<vmem>>) dst(%dma_wait3A_110 : memref<304xf32, #tpu.memory_space<hbm>>)
        tpu.yield
      }) : () -> ()
      "tpu.region"() ({
        %run_scoped3A = tpu.sem_alloc : memref<!tpu.dma_semaphore, #tpu.memory_space<semaphore_mem>>
        %dma_start3A = arith.constant 0 : i32
        %dma_start3A_101 = tpu.memref_slice %arg9[%add3A_11, %dma_start3A] : memref<128x304xi32, #tpu.memory_space<hbm>> -> memref<1x304xi32, #tpu.memory_space<hbm>>
        %dma_start3A_102 = tpu.memref_squeeze %dma_start3A_101 : memref<1x304xi32, #tpu.memory_space<hbm>> -> memref<304xi32, #tpu.memory_space<hbm>>
        %dma_start3A_103 = arith.constant 0 : i32
        %dma_start3A_104 = tpu.memref_slice %arg9[%add3A_11, %dma_start3A_103] : memref<128x304xi32, #tpu.memory_space<hbm>> -> memref<1x304xi32, #tpu.memory_space<hbm>>
        %dma_start3A_105 = tpu.memref_squeeze %dma_start3A_104 : memref<1x304xi32, #tpu.memory_space<hbm>> -> memref<304xi32, #tpu.memory_space<hbm>>
        tpu.enqueue_dma source(%arg23 : memref<304xi32, #tpu.memory_space<vmem>>) target(%dma_start3A_105 : memref<304xi32, #tpu.memory_space<hbm>>) target_semaphore(%run_scoped3A : memref<!tpu.dma_semaphore, #tpu.memory_space<semaphore_mem>>)
        %dma_wait3A = arith.constant 0 : i32
        %dma_wait3A_106 = tpu.memref_slice %arg9[%add3A_11, %dma_wait3A] : memref<128x304xi32, #tpu.memory_space<hbm>> -> memref<1x304xi32, #tpu.memory_space<hbm>>
        %dma_wait3A_107 = tpu.memref_squeeze %dma_wait3A_106 : memref<1x304xi32, #tpu.memory_space<hbm>> -> memref<304xi32, #tpu.memory_space<hbm>>
        %dma_wait3A_108 = arith.constant 0 : i32
        %dma_wait3A_109 = tpu.memref_slice %arg9[%add3A_11, %dma_wait3A_108] : memref<128x304xi32, #tpu.memory_space<hbm>> -> memref<1x304xi32, #tpu.memory_space<hbm>>
        %dma_wait3A_110 = tpu.memref_squeeze %dma_wait3A_109 : memref<1x304xi32, #tpu.memory_space<hbm>> -> memref<304xi32, #tpu.memory_space<hbm>>
        tpu.wait_dma2 semaphore(%run_scoped3A : memref<!tpu.dma_semaphore, #tpu.memory_space<semaphore_mem>>) src(%arg23 : memref<304xi32, #tpu.memory_space<vmem>>) dst(%dma_wait3A_110 : memref<304xi32, #tpu.memory_space<hbm>>)
        tpu.yield
      }) : () -> ()
      scf.yield %scan3A_50#0 : i32
    }
    %scan3A_6 = arith.constant 4 : i32
    return
  }
}

</mosaic_0001>

<sc_bundles>
// kernel: kernel.3.cloned.1.call-start
scs
__scs_entry_jumppad:
0x0: {  	(pc) =	sbr.rel $0x88, $3  }
0x1: {  	(tag) =	ssettag $0x0;
	lr =	simm.s32 $0x1  }
0x2: {  	[smem:$0x3F9D] =	sst lr;
	_ =	strace $0xD0000000  }
0x3: {  	_ = 	snop  }
0x4: {  	_ = 	snop  }
0x5: {  	_ = 	snop  }
0x6: {  	_ = 	snop  }
0x7: {  	_ = 	snop  }
__scs_overlays_trampoline_lowered:
0x8: {  	[smem:$0x3FAC] =	sst s0  }
0x9: {  	[smem:$0x3FAD] =	sst s1  }
0xa: {  	[smem:$0x3FAE] =	sst s2  }
0xb: {  	[smem:$0x3FAF] =	sst s3  }
0xc: {  	[smem:$0x3FB0] =	sst s4  }
0xd: {  	[smem:$0x3FB1] =	sst s5  }
0xe: {  	[smem:$0x3FB2] =	sst s6  }
0xf: {  	[smem:$0x3FB3] =	sst s7  }
0x10: {  	[smem:$0x3FB4] =	sst s8  }
0x11: {  	[smem:$0x3FB5] =	sst s9;
	s0 =	simm.s32 @!p0 $0x0  }
0x12: {  	s1 =	sld [smem:$0x3F9B];
	s0 =	simm.s32 @p0 $0x1  }
0x13: {  	[smem:$0x3FB6] =	sst s0;
	s0 =	simm.s32 @!p1 $0x0  }
0x14: {  	s2 =	sld [smem:$0x3F9A];
	s0 =	simm.s32 @p1 $0x1  }
0x15: {  	[smem:$0x3FB7] =	sst s0;
	s0 =	simm.s32 @!p2 $0x0  }
0x16: {  	s3 =	sld [smem:$0x3FDB];
	s0 =	simm.s32 @p2 $0x1  }
0x17: {  	s4 =	simm.s32 $0x1BF5;
	[smem:$0x3FB9] =	sst s0  }
0x18: {  	s0 =	sld [smem:$0x3F9C];
	_ =	swait.ge [sflag:s4], $0x0  }
0x19: {  	s7 =	sld [smem:$0x3F9D]  }
0x1a: {  	s8 =	sadd.s32 $0xFFFFE003, lr  }
0x1b: {  	s9 =	sadd.s32 $0xFFFFFEF7, lr;
	s5 =	simm.s32 $0xFFFFFFFF;
	p2 =	slt.u32 s8, $0xFFFFF086  }
0x1c: {  	p1 =	slt.u32 s9, $0xF7A;
	s5 =	simm.s32 @!p2 $0x0  }
0x1d: {  	s5 =	simm.s32 @p1 $0x1;
	p0 =	seq.s32 s7, s2  }
0x1e: {  	s7 =	smul.u32 @!p0 $0xF7A, s2;
	p2 =	seq.s32 @!p0 s5, $0x0  }
0x1f: {  	s9 =	smul.u32 $0xF7A, s1;
	s8 =	simm.s32 @!p0 $0x1BF5;
	p2 =	por !p2, p0  }
0x20: {  	[sflag:s8] =	ssyncset.s32 @!p0 $0xFFFFF086;
	s6 =	sadd.s32 @!p0 s3, s7;
	s7 =	simm.s32 @!p0 $0x108  }
0x21: {  	s3 =	sadd.s32 s3, s9;
	s6 =	sadd.s32 @!p0 $0x88, s6;
	s7 =	simm.s32 @p2 $0x1082  }
0x22: {  	[simem:s7], [sflag:s8] =	dma.local @!p0 [hbm:s6], $0xF7A  }
0x23: {  	s9 =	sor.u32 $0xD0000000, s2;
	s6 =	simm.s32 $0x108;
	_ =	swait.ge @!p0 [sflag:s8], $0x0  }
0x24: {  	s3 =	sadd.s32 $0x88, s3;
	s6 =	simm.s32 @!p1 $0x1082;
	[sflag:s4] =	ssyncset.s32 $0xFFFFF086  }
0x25: {  	[simem:s6], [sflag:s4] =	dma.local [hbm:s3], $0xF7A  }
0x26: {  	[smem:$0x3F9D] =	sst s1;
	(tag) =	ssettag s2;
	_ =	strace s9  }
0x27: {  	s1 =	sld [smem:$0x3FAD]  }
0x28: {  	s2 =	sld [smem:$0x3FAE]  }
0x29: {  	s4 =	sld [smem:$0x3FB0]  }
0x2a: {  	p0 =	seq.s32 s5, $0x0;
	s5 =	sld [smem:$0x3FB1]  }
0x2b: {  	s6 =	sld [smem:$0x3FB2]  }
0x2c: {  	s7 =	sld [smem:$0x3FB3]  }
0x2d: {  	s3 =	simm.s32 $0x108;
	s8 =	sld [smem:$0x3FB4]  }
0x2e: {  	s3 =	simm.s32 @!p0 $0x1082;
	s9 =	sld [smem:$0x3FB5]  }
0x2f: {  	lr =	sadd.s32 s0, s3;
	s0 =	sld [smem:$0x3FAC]  }
0x30: {  	s3 =	sld [smem:$0x3FAF]  }
0x31: {  	[smem:$0x3FB8] =	sst s10  }
0x32: {  	s10 =	sld [smem:$0x3FB6];
	_ =	sdelay $0x3  }
0x33: {  	p0 =	seq.s32 s10, $0x1;
	s10 =	sld [smem:$0x3FB8];
	_ =	sdelay $0x3  }
0x34: {  	[smem:$0x3FB8] =	sst s10  }
0x35: {  	s10 =	sld [smem:$0x3FB7];
	_ =	sdelay $0x3  }
0x36: {  	p1 =	seq.s32 s10, $0x1;
	s10 =	sld [smem:$0x3FB8];
	_ =	sdelay $0x3  }
0x37: {  	[smem:$0x3FB8] =	sst s10  }
0x38: {  	s10 =	sld [smem:$0x3FB9]  }
0x39: {  	_ = 	snop;
	(pc) =	sbr.ind lr, $3  }
0x3a: {  	_ = 	snop  }
0x3b: {  	_ = 	snop  }
0x3c: {  	p2 =	seq.s32 s10, $0x1;
	s10 =	sld [smem:$0x3FB8]  }
0x3d: {  	_ =	shalt  }
0x3e: {  	_ =	shalt  }
0x3f: {  	_ =	shalt  }
0x40: {  	_ =	shalt  }
0x41: {  	_ =	shalt  }
0x42: {  	_ =	shalt  }
0x43: {  	_ =	shalt  }
0x44: {  	_ =	shalt  }
0x45: {  	_ =	shalt  }
0x46: {  	_ =	shalt  }
0x47: {  	_ =	shalt  }
0x48: {  	_ =	shalt  }
0x49: {  	_ =	shalt  }
0x4a: {  	_ =	shalt  }
0x4b: {  	_ =	shalt  }
0x4c: {  	_ =	shalt  }
0x4d: {  	_ =	shalt  }
0x4e: {  	_ =	shalt  }
0x4f: {  	_ =	shalt  }
0x50: {  	_ =	shalt  }
0x51: {  	_ =	shalt  }
0x52: {  	_ =	shalt  }
0x53: {  	_ =	shalt  }
0x54: {  	_ =	shalt  }
0x55: {  	_ =	shalt  }
0x56: {  	_ =	shalt  }
0x57: {  	_ =	shalt  }
0x58: {  	_ =	shalt  }
0x59: {  	_ =	shalt  }
0x5a: {  	_ =	shalt  }
0x5b: {  	_ =	shalt  }
0x5c: {  	_ =	shalt  }
0x5d: {  	_ =	shalt  }
0x5e: {  	_ =	shalt  }
0x5f: {  	_ =	shalt  }
0x60: {  	_ =	shalt  }
0x61: {  	_ =	shalt  }
0x62: {  	_ =	shalt  }
0x63: {  	_ =	shalt  }
0x64: {  	_ =	shalt  }
0x65: {  	_ =	shalt  }
0x66: {  	_ =	shalt  }
0x67: {  	_ =	shalt  }
0x68: {  	_ =	shalt  }
0x69: {  	_ =	shalt  }
0x6a: {  	_ =	shalt  }
0x6b: {  	_ =	shalt  }
0x6c: {  	_ =	shalt  }
0x6d: {  	_ =	shalt  }
0x6e: {  	_ =	shalt  }
0x6f: {  	_ =	shalt  }
0x70: {  	_ =	shalt  }
0x71: {  	_ =	shalt  }
0x72: {  	_ =	shalt  }
0x73: {  	_ =	shalt  }
0x74: {  	_ =	shalt  }
0x75: {  	_ =	shalt  }
0x76: {  	_ =	shalt  }
0x77: {  	_ =	shalt  }
0x78: {  	_ =	shalt  }
0x79: {  	_ =	shalt  }
0x7a: {  	_ =	shalt  }
0x7b: {  	_ =	shalt  }
0x7c: {  	_ =	shalt  }
0x7d: {  	_ =	shalt  }
0x7e: {  	_ =	shalt  }
0x7f: {  	_ =	shalt  }
0x80: {  	_ =	shalt  }
0x81: {  	_ =	shalt  }
0x82: {  	_ =	shalt  }
0x83: {  	_ =	shalt  }
0x84: {  	_ =	shalt  }
0x85: {  	_ =	shalt  }
0x86: {  	_ =	shalt  }
0x87: {  	_ =	shalt  }
.Lfunc_end0:
.L_simem_size_0:
called_computation_lowered:
.L_overlay_start_0:
0x88: {  	s2 =	sld [smem:$0x3FD9]  }
0x89: {  	s3 =	sld [smem:$0x3FFE];
	_ =	sdelay $0x1  }
0x8a: {  	s1 =	srdreg.scid  }
0x8b: {  	s0 =	sand.u32 $0x1, s1  }
0x8c: {  	s14 =	sshll.u32 s0, $0xA;
	s2 =	sadd.s32 s3, s2  }
0x8d: {  	s2 =	sadd.s32 s2, s14  }
0x8e: {  	[smem:$0x3FC4] =	sst s2  }
0x8f: {  	_ = 	snop  }
0x90: {  	s2 =	sld [smem:$0x3FD0];
	_ =	sdelay $0x2  }
0x91: {  	s15 =	simm.s32 $0xA;
	s4 =	simm.s32 $0x10  }
0x92: {  	[smem:s4], [sflag:s15] =	dma.local [hbm:s2], $0x1  }
0x93: {  	_ =	swait.eq [sflag:s15], $0x1  }
0x94: {  	[sflag:s15] =	ssyncset.done $0x0  }
0x95: {  	s16 =	sld [smem:$0x11];
	[sflag:s15] =	ssyncadd.s32 $0xFFFFFFFF  }
0x96: {  	s17 =	sld [smem:$0x13];
	(tm) =	ssettm $0x1  }
0x97: {  	s18 =	sld [smem:$0x3FFB];
	_ =	sdelay $0x3  }
0x98: {  	_ =	strace s18  }
0x99: {  	s4 =	sld [smem:$0x3FFC];
	_ =	sdelay $0x3  }
0x9a: {  	_ =	strace s4  }
0x9b: {  	s4 =	sld [smem:$0x3FFD];
	_ =	sdelay $0x3  }
0x9c: {  	_ =	strace s4  }
0x9d: {  	_ =	strace $0x8FFFFFFF  }
0x9e: {  	s19 =	sld [smem:$0x3FDB];
	_ =	sdelay $0x1  }
0x9f: {  	s5 =	simm.s32 $_scs_section_size  }
0xa0: {  	s6 =	simm.s32 $_size__tile_overlayer_lowered;
	s7 =	simm.s32 $_tile_overlayer_lowered  }
0xa1: {  	s22 =	simm.s32 $0x1BFF;
	s21 =	sshll.u32 s7, $0x1;
	s4 =	sadd.s32 s5, s19  }
0xa2: {  	s8 =	simm.s32 $0x0;
	s20 =	sshll.u32 s6, $0x1;
	s6 =	sadd.s32 s21, s4  }
0xa3: {  	[timem:s8], [sflag:s22] =	dma.local [hbm:s6], s20  }
0xa4: {  	_ =	swait.ge [sflag:s22], s20  }
0xa5: {  	s5 =	ssub.s32 $0x0, s20;
	[sflag:s22] =	ssyncset.done $0x0  }
0xa6: {  	[sflag:s22] =	ssyncadd.s32 s5;
	_ =	sdelay $0x1  }
0xa7: {  	s23 =	simm.s32 $0x1B8B  }
0xa8: {  	_ =	swait.ge [sflag:s23], $0x1  }
0xa9: {  	[sflag:s23] =	ssyncset.done $0x0  }
0xaa: {  	s25 =	simm.s32 $0x1B8E;
	s24 =	sld [smem:$0x3FFE];
	[sflag:s23] =	ssyncadd.s32 $0xFFFFFFFF  }
0xab: {  	s26 =	simm.s32 $execute0_lowered;
	[smem:$0x3FD2] =	sst s25  }
0xac: {  	s6 =	sshll.u32 s26, $0x1;
	_ =	strace $0x80000046;
	[dreg:$0x1] =	wrdreg $0xFFFFFFFF  }
0xad: {  	s28 =	simm.s32 $_size_execute0_lowered;
	s4 =	sadd.s32 s4, s6;
	[dreg:$0x0] =	wrdreg $0x0  }
0xae: {  	s6 =	sshll.u32 s28, $0x1;
	[dreg:$0x2] =	wrdreg s4  }
0xaf: {  	[dreg:$0x3] =	wrdreg s6  }
0xb0: {  	[dreg:$0x4] =	wrdreg $0xC0  }
0xb1: {  	_ =	task [dreg:s8], $0x5FFFF  }
0xb2: {  	[dreg:$0x1] =	wrdreg $0xFFFFFFFF  }
0xb3: {  	[dreg:$0x0] =	wrdreg $0x60  }
0xb4: {  	[dreg:$0x2] =	wrdreg s24  }
0xb5: {  	[dreg:$0x3] =	wrdreg s16  }
0xb6: {  	[dreg:$0x4] =	wrdreg s17  }
0xb7: {  	[dreg:$0x5] =	wrdreg $0x9  }
0xb8: {  	_ =	task.clear_ibuf [dreg:s8], $0x6FFFF;
	_ =	strace $0x90000046  }
0xb9: {  	s29 =	simm.s32 $0x9;
	_ =	strace $0x80000048  }
0xba: {  	_ =	swait.ge [sflag:s29], $0x1  }
0xbb: {  	[sflag:s29] =	ssyncadd.s32 $0xFFFFFFFF  }
0xbc: {  	_ =	strace $0x90000048  }
0xbd: {  	_ =	sfence  }
0xbe: {  	s30 =	sld [smem:$0x0];
	_ =	sdelay $0x2  }
0xbf: {  	s31 =	sshll.u32 s1, $0xD;
	s1 =	sshrl.u32 s1, $0x2  }
0xc0: {  	s3 =	sand.u32 $0x4000, s31;
	s1 =	sadd.s32 s1, s30  }
0xc1: {  	s0 =	sor.u32 s3, s0;
	s1 =	sshll.u32 s1, $0x11  }
0xc2: {  	s0 =	sor.u32 s1, s0  }
0xc3: {  	s0 =	sadd.s32 $0x8F2B, s0  }
0xc4: {  	[sflag:s0] =	ssyncadd.remote.s32 $0x1  }
0xc5: {  	_ =	sfence.sel $0xFFFF  }
0xc6: {  	[dreg:$0x0] =	wrdreg $0xFFFFFFFF;
	(pc) =	sbr.abs _section_cstart, $3  }
0xc7: {  	[dreg:$0x1] =	wrdreg $0xFFFFFFFF  }
0xc8: {  	_ =	task.clear_ibuf [dreg:s8], $0x2FFFF;
	_ =	strace $0x9FFFFFFF  }
0xc9: {  	(tm) =	ssettm $0x7FFFFFFF  }
tec
execute0_lowered:
.L_overlay_start_1:
0x0: {  	(tag) =	ssettag $0x1  }
0x1: {  	s0 =	rddreg [dreg:$0x0];
	s2 =	simm.s32 $0x0;
	s1 =	simm.s32 $0x0  }
0x2: {  	s22 =	srdreg.scid;
	s23 =	stileid.u32;
	s4 =	simm.s32 $0x80  }
0x3: {  	s5 =	simm.s32 $0x400;
	s6 =	simm.s32 $0x1;
	[dreg:$0x6] =	wrdreg s1  }
0x4: {  	[smem:$0x7FF] =	sst s2;
	s20 =	sadd.s32 $0xF000, s0;
	s21 =	sadd.s32 $0x800, s0  }
0x5: {  	s3 =	sadd.s32 $0x128800, s0;
	_ =	strace $0x80000047;
	[dreg:$0x7] =	wrdreg s20  }
0x6: {  	s1 =	sand.u32 $0x1, s22;
	s24 =	sshll.u32 s23, $0x1;
	[dreg:$0x8] =	wrdreg s21  }
0x7: {  	v0 =	vimm.s32 $0x0;
	v3 =	vimm.s32 $0xECA86420;
	v1 =	vimm.s32 $0x1;
	s25 =	sadd.s32 $0x12D000, s0;
	s28 =	sadd.s32 $0x12A000, s0;
	[dreg:$0x9] =	wrdreg s3  }
0x8: {  	v2 =	vlaneseq.u32;
	vm0 =	vcmask $0xB08;
	vm1 =	vcmask $0x1310;
	s0 =	sadd.s32 $0x12B800, s0;
	[dreg:$0xb] =	wrdreg s25;
	s26 =	ssub.s32 $0x2, s1  }
.Ltmp0:
0x9: {  	vm2 =	vcmask $0x1B18;
	vm3 =	vcmask $0x300;
	vm4 =	vcmask $0x2320;
	[dreg:$0xa] =	wrdreg s24;
	s1 =	sor.u32 s1, s24;
	(pc) =	sbr.rel .LBB2_1-.Ltmp0, $4  }
0xa: {  	vm5 =	vcmask $0x2B28;
	vm6 =	vcmask $0x3330;
	vm7 =	vmmov $0xff;
	[dreg:$0xc] =	wrdreg s28;
	s29 =	sshrl.u32 s26, $0x1;
	s1 =	sshll.u32 s1, $0x7  }
0xb: {  	v5 =	vimm.s32 $0x0;
	vm8 =	vcmask $0x704;
	v3 =	vunpack.c.l.s4.s8 v3;
	[dreg:$0xd] =	wrdreg s0;
	s31 =	ssub.s32 s26, s29;
	s3 =	sand.u32 $0x380, s1  }
0xc: {  	s10 =	simm.s32 $0x19D80;
	vm10 =	vcmask $0xF0C;
	vm12 =	vcmask $0x1F1C;
	v5 =	vsel vm7, $0xFFFFFFFF, v5;
	s0 =	smax.u32 s31, $0x1;
	[dreg:$0xe] =	wrdreg s3  }
0xd: {  	s30 =	simm.s32 $0x1A180;
	s7 =	simm.s32 $0x11980;
	vm15 =	vcmask $0x2724;
	v4 =	vmul.u32 $0x2, v2;
	[tilespmem:$0x1FFF0] =	vst v5;
	v3 =	vunpack.c.0.s8.s32 v3;
	[dreg:$0xf] =	wrdreg s0  }
.LBB2_44:
0xe: {  	s0 =	rddreg [dreg:$0x6]  }
0xf: {  	s1 =	rddreg [dreg:$0xf];
	s0 =	sadd.s32 $0x1, s0  }
0x10: {  	p0 =	sne.s32 s0, s1  }
.Ltmp1:
0x11: {  	_ = 	snop;
	(pc) =	sbr.rel @!p0 .LBB2_45-.Ltmp1, $2  }
0x12: {  	_ =	sdelay $0x2  }
0x13: {  	[dreg:$0x6] =	wrdreg s0  }
.LBB2_1:
0x14: {  	s8 =	simm.s32 $0x0  }
.LBB2_2:
0x15: {  	s0 =	sshll.u32 s8, $0x5;
	s1 =	rddreg [dreg:$0xa]  }
0x16: {  	s0 =	sor.u32 s1, s0  }
0x17: {  	s9 =	sshrl.u32 s0, $0x3  }
0x18: {  	s0 =	smul.u32 $0x8CC00, s9;
	_ =	sdelay $0x1  }
0x19: {  	s0 =	sor.u32 s3, s0  }
0x1a: {  	s23 =	rddreg [dreg:$0x7];
	s0 =	sshrl.u32 s0, $0x3  }
0x1b: {  	s1 =	sadd.s32 s23, s0;
	s0 =	simm.s32 $0x0  }
0x1c: {  	[tilespmem:s0], [sflag:$0x1] =	stream.strided.gather [hbm4b:s1+s4], $0x11980, s5, s4, $0x38;
	[tilespmem:$0x1BF00] =	vst v63  }
0x1d: {  	_ =	swait.ge [sflag:s6], $0x11980  }
0x1e: {  	s24 =	sshll.u32 s9, $0xD;
	[sflag:s6] =	ssyncset.done $0x0  }
0x1f: {  	s1 =	sor.u32 s3, s24;
	[sflag:s6] =	ssyncadd.s32 $0xFFFEE680  }
0x20: {  	s1 =	sshrl.u32 s1, $0x3;
	s2 =	rddreg [dreg:$0x1]  }
0x21: {  	s25 =	smul.u32 $0x7400, s9;
	s1 =	sadd.s32 s2, s1  }
0x22: {  	[tilespmem:s10], [sflag:$0x1] =	stream.strided.gather [hbm4b:s1+s4], $0x400, s5, s4, $0x38;
	[tilespmem:$0x1BF00] =	vst v63  }
0x23: {  	s26 =	sor.u32 s3, s25;
	_ =	swait.ge [sflag:s6], $0x400  }
0x24: {  	s1 =	sshrl.u32 s26, $0x3;
	[sflag:s6] =	ssyncset.done $0x0;
	s28 =	rddreg [dreg:$0x8]  }
0x25: {  	[sflag:s6] =	ssyncadd.s32 $0xFFFFFC00;
	s1 =	sadd.s32 s28, s1  }
0x26: {  	[tilespmem:s30], [sflag:$0x1] =	stream.strided.gather [hbm4b:s1+s4], $0xE80, s5, s4, $0x38;
	[tilespmem:$0x1BF00] =	vst v63  }
0x27: {  	_ =	swait.ge [sflag:s6], $0xE80  }
0x28: {  	s29 =	sshll.u32 s9, $0xA;
	[sflag:s6] =	ssyncset.done $0x0  }
0x29: {  	s1 =	sor.u32 s3, s29;
	[sflag:s6] =	ssyncadd.s32 $0xFFFFF180  }
0x2a: {  	s1 =	sshrl.u32 s1, $0x3;
	s30 =	rddreg [dreg:$0x2]  }
0x2b: {  	s31 =	simm.s32 $0x1B000;
	s1 =	sadd.s32 s30, s1  }
0x2c: {  	[tilespmem:s31], [sflag:$0x1] =	stream.linear.gather [hbm4b:s1+s0], $0x80, $0x38;
	[tilespmem:$0x1BF00] =	vst v63  }
0x2d: {  	_ =	swait.ge [sflag:s6], $0x80  }
0x2e: {  	[sflag:s6] =	ssyncset.done $0x0  }
0x2f: {  	s2 =	simm.s32 $0x0;
	s1 =	simm.s32 $0x40;
	[sflag:s6] =	ssyncadd.s32 $0xFFFFFF80  }
.LBB2_3:
0x30: {  	p0 =	sne.s32 s1, $0x1FFC0;
	[tilespmem:s2+$0x11980] =	vst v0;
	s2 =	smov.u32 s1;
	s1 =	sadd.s32 $0x40, s1  }
.Ltmp2:
0x31: {  	(pc) =	sbr.rel @p0 .LBB2_3-.Ltmp2, $2  }
0x32: {  	_ =	sdelay $0x2  }
0x33: {  	s2 =	sshra.s32 s2, $0x2  }
0x34: {  	[tilespmem:s2+$0x11980] =	vst v0  }
.LBB2_5:
0x35: {  	s1 =	sshra.s32 s0, $0x2  }
0x36: {  	v5 =	vld [tilespmem:s1+$0x0];
	_ =	sdelay $0x4  }
0x37: {  	v6 =	vshra.s32 v5, $0x1F  }
0x38: {  	v6 =	vor.u32 $0x80000000, v6  }
0x39: {  	v5 =	vxor.u32 v5, v6  }
0x3a: {  	p0 =	seq.s32 s0, $0x464C0;
	v5 =	vshrl.u32 v5, $0x11  }
.Ltmp3:
0x3b: {  	_ = 	snop;
	(pc) =	sbr.rel @!p0 .LBB2_5-.Ltmp3, $2  }
0x3c: {  	_ =	sdelay $0x2  }
0x3d: {  	s0 =	sadd.s32 $0x40, s0;
	[tilespmem:v5+s7+$0x0] =	vst.idx.add.s32.msk $0xffff, v1  }
0x3e: {  	s28 =	simm.s32 $0xFFFFFFFF;
	s30 =	simm.s32 $0x0  }
0x3f: {  	s0 =	simm.s32 $0x80007FEF;
	s1 =	simm.s32 $0x19970;
	s2 =	simm.s32 $0x0  }
.LBB2_7:
0x40: {  	v5 =	vld [tilespmem:s1+$0x0];
	_ =	sdelay $0x4  }
0x41: {  	(xrf0) =	vadd.scan.msk.s32 $0xffff, v5;
	_ =	sdelay $0x5  }
0x42: {  	v6, _, _ =	vpop (xrf0)  }
0x43: {  	v5 =	vadd.s32 s2, v5;
	v7 =	vbroadcast v6, $0xF  }
0x44: {  	v5 =	vsub.s32 v5, v6  }
0x45: {  	v5 =	vadd.s32 v7, v5  }
0x46: {  	vm9 =	vgt.s32 v5, $0x12B  }
0x47: {  	v5 =	vmpcnt.ones.xlane vm9;
	_ =	sdelay $0x1  }
0x48: {  	v5 =	vxor.u32 $0x80000000, v5  }
0x49: {  	(xrf0) =	vmax.scan.msk.u32 $0xffff, v5;
	_ =	sdelay $0x5  }
0x4a: {  	(v2sf) =	vpush v6, $0xF;
	v5, _, _ =	vpop (xrf0)  }
0x4b: {  	(v2sf) =	vpush v5, $0xF;
	_ =	sdelay $0xd  }
0x4c: {  	s3 =	spop (v2sf)  }
0x4d: {  	s4 =	spop (v2sf)  }
0x4e: {  	s5 =	sadd.s32 $0x7FFFFFFF, s4  }
0x4f: {  	v5 =	vmov s5  }
0x50: {  	vm9 =	veq.s32 v5, v2;
	v5 =	vxor.u32 $0x80000000, v6  }
0x51: {  	v5 =	vnsel vm9, $0x80000000, v5  }
0x52: {  	(xrf0) =	vmax.scan.msk.u32 $0xffff, v5;
	_ =	sdelay $0x5  }
0x53: {  	v5, _, _ =	vpop (xrf0)  }
0x54: {  	(v2sf) =	vpush v5, $0xF;
	_ =	sdelay $0xb  }
0x55: {  	s26 =	sxor.u32 $0x80000000, s4  }
0x56: {  	p0 =	slt.s32 s28, $0x0;
	p1 =	sgt.s32 s26, $0x0  }
0x57: {  	p0 =	por !p0, !p1;
	p1 =	seq.s32 s0, $0x7FFFFFFF  }
.Ltmp4:
0x58: {  	s29 =	spop (v2sf);
	(pc) =	sbr.rel @!p1 .LBB2_7-.Ltmp4, $4  }
0x59: {  	s2 =	sadd.s32 s2, s3;
	s5 =	sxor.u32 $0x7FFFFFFF, s29  }
0x5a: {  	s3 =	sadd.s32 s0, s4;
	p0 =	por !p0, !p0;
	s31 =	sadd.s32 s2, s5  }
0x5b: {  	s28 =	smov.u32 @p0 s3;
	s3 =	sadd.s32 $0x1, s31  }
0x5c: {  	s1 =	sadd.s32 $0xFFFFFFF0, s1;
	s0 =	sadd.s32 $0xFFFFFFF0, s0;
	s30 =	smov.u32 @p0 s3  }
0x5d: {  	[tilespmem:$0x11980] =	vst v0  }
0x5e: {  	[tilespmem:$0x11990] =	vst v0  }
0x5f: {  	[tilespmem:$0x119A0] =	vst v0  }
0x60: {  	[tilespmem:$0x119B0] =	vst v0  }
0x61: {  	[tilespmem:$0x119C0] =	vst v0  }
0x62: {  	[tilespmem:$0x119D0] =	vst v0  }
0x63: {  	[tilespmem:$0x119E0] =	vst v0  }
0x64: {  	[tilespmem:$0x119F0] =	vst v0  }
0x65: {  	[tilespmem:$0x11A00] =	vst v0  }
0x66: {  	[tilespmem:$0x11A10] =	vst v0  }
0x67: {  	[tilespmem:$0x11A20] =	vst v0  }
0x68: {  	[tilespmem:$0x11A30] =	vst v0  }
0x69: {  	[tilespmem:$0x11A40] =	vst v0  }
0x6a: {  	[tilespmem:$0x11A50] =	vst v0  }
0x6b: {  	[tilespmem:$0x11A60] =	vst v0  }
0x6c: {  	[tilespmem:$0x11A70] =	vst v0  }
0x6d: {  	[tilespmem:$0x11A80] =	vst v0  }
0x6e: {  	[tilespmem:$0x11A90] =	vst v0  }
0x6f: {  	[tilespmem:$0x11AA0] =	vst v0  }
0x70: {  	[tilespmem:$0x11AB0] =	vst v0  }
0x71: {  	[tilespmem:$0x11AC0] =	vst v0  }
0x72: {  	[tilespmem:$0x11AD0] =	vst v0  }
0x73: {  	[tilespmem:$0x11AE0] =	vst v0  }
0x74: {  	[tilespmem:$0x11AF0] =	vst v0  }
0x75: {  	[tilespmem:$0x11B00] =	vst v0  }
0x76: {  	[tilespmem:$0x11B10] =	vst v0  }
0x77: {  	[tilespmem:$0x11B20] =	vst v0  }
0x78: {  	[tilespmem:$0x11B30] =	vst v0  }
0x79: {  	[tilespmem:$0x11B40] =	vst v0  }
0x7a: {  	[tilespmem:$0x11B50] =	vst v0  }
0x7b: {  	[tilespmem:$0x11B60] =	vst v0  }
0x7c: {  	[tilespmem:$0x11B70] =	vst v0;
	v5 =	vmov s28;
	s0 =	simm.s32 $0x0  }
.LBB2_9:
0x7d: {  	s1 =	sshra.s32 s0, $0x2  }
0x7e: {  	v6 =	vld [tilespmem:s1+$0x0];
	_ =	sdelay $0x4  }
0x7f: {  	v7 =	vshra.s32 v6, $0x1F  }
0x80: {  	v7 =	vor.u32 $0x80000000, v7  }
0x81: {  	v6 =	vxor.u32 v6, v7  }
0x82: {  	v7 =	vshrl.u32 v6, $0x11  }
0x83: {  	v6 =	vshrl.u32 v6, $0x8;
	vm9 =	veq.s32 v7, v5  }
0x84: {  	p0 =	sne.s32 s0, $0x464C0;
	v6 =	vand.u32 $0x1FF, v6  }
.Ltmp5:
0x85: {  	_ = 	snop;
	(pc) =	sbr.rel @p0 .LBB2_9-.Ltmp5, $2  }
0x86: {  	_ =	sdelay $0x2  }
0x87: {  	s0 =	sadd.s32 $0x40, s0;
	[tilespmem:v6+s7+$0x0] =	vst.idx.add.s32.msk vm9, v1  }
0x88: {  	s0 =	simm.s32 $0x11B70  }
0x89: {  	p4 =	por $0x0, $0x0;
	v10 =	vld [tilespmem:s0+$0x0]  }
.Ltmp6:
0x8a: {  	_ = 	snop;
	(pc) =	sbr.rel @p4 .LBB2_11-.Ltmp6, $4  }
0x8b: {  	s29 =	simm.s32 $0xFFFFFFFF  }
0x8c: {  	s1 =	simm.s32 $0x11B60;
	s4 =	simm.s32 $0x800001DF;
	p0 =	por $0x0, $0x0  }
0x8d: {  	p1 =	por $0x0, $0x0;
	p2 =	por $0x0, $0x0;
	[dreg:$0x10] =	wrdreg s8  }
0x8e: {  	p3 =	por $0x0, $0x0;
	[dreg:$0x11] =	wrdreg s9;
	s0 =	simm.s32 $0x800001EF;
	(xrf0) =	vadd.scan.msk.s32 $0xffff, v10  }
0x8f: {  	_ = 	snop  }
0x90: {  	v5 =	vld [tilespmem:s1+$0x0];
	p4 =	por $0x0, $0x0  }
.Ltmp7:
0x91: {  	_ = 	snop;
	(pc) =	sbr.rel @p4 .LBB2_13-.Ltmp7, $3  }
0x92: {  	_ =	sdelay $0x1  }
0x93: {  	v9, _, _ =	vpop (xrf0)  }
0x94: {  	s1 =	simm.s32 $0x11B50;
	s31 =	simm.s32 $0x800001CF;
	p0 =	por $0x1, $0x1;
	(xrf0) =	vadd.scan.msk.s32 $0xffff, v5;
	(v2sf) =	vpush v9, $0xF  }
0x95: {  	v6 =	vbroadcast v9, $0xF;
	v7 =	vadd.s32 s30, v10  }
0x96: {  	v11 =	vld [tilespmem:s1+$0x0];
	p4 =	por $0x0, $0x0;
	v7 =	vsub.s32 v7, v9  }
.Ltmp8:
0x97: {  	v6 =	vadd.s32 v6, v7;
	(pc) =	sbr.rel @p4 .LBB2_15-.Ltmp8, $4  }
0x98: {  	vm9 =	vgt.s32 v6, $0x12B  }
0x99: {  	v6 =	vmpcnt.ones.xlane vm9  }
0x9a: {  	v9, _, _ =	vpop (xrf0)  }
0x9b: {  	s1 =	simm.s32 $0x11B40;
	s13 =	simm.s32 $0x800001BF;
	p1 =	por $0x1, $0x1;
	(xrf0) =	vadd.scan.msk.s32 $0xffff, v11;
	(v2sf) =	vpush v9, $0xF;
	v8 =	vxor.u32 $0x80000000, v6  }
0x9c: {  	_ =	sdelay $0x6  }
0x9d: {  	s2 =	spop (v2sf)  }
0x9e: {  	(xrf0) =	vmax.scan.msk.u32 $0xffff, v8;
	s3 =	sadd.s32 s30, s2  }
0x9f: {  	v5 =	vadd.s32 s3, v5  }
0xa0: {  	v6 =	vbroadcast v9, $0xF;
	v5 =	vsub.s32 v5, v9;
	v9, _, _ =	vpop (xrf0)  }
0xa1: {  	(v2sf) =	vpush v9, $0xF;
	_ =	sdelay $0x2  }
0xa2: {  	v5 =	vadd.s32 v6, v5;
	v6, _, _ =	vpop (xrf0)  }
0xa3: {  	(v2sf) =	vpush v6, $0xF;
	_ =	sdelay $0x4  }
0xa4: {  	v7 =	vld [tilespmem:s1+$0x0];
	p4 =	por $0x0, $0x0  }
.Ltmp9:
0xa5: {  	_ = 	snop;
	(pc) =	sbr.rel @p4 .LBB2_17-.Ltmp9, $3  }
0xa6: {  	vm9 =	vgt.s32 v5, $0x12B  }
0xa7: {  	v5 =	vmpcnt.ones.xlane vm9;
	_ =	sdelay $0x1  }
0xa8: {  	s1 =	simm.s32 $0x11B30;
	s6 =	simm.s32 $0x800001AF;
	p2 =	por $0x1, $0x1;
	(xrf0) =	vadd.scan.msk.s32 $0xffff, v7;
	v6 =	vxor.u32 $0x80000000, v5  }
0xa9: {  	s2 =	spop (v2sf)  }
0xaa: {  	(xrf0) =	vmax.scan.msk.u32 $0xffff, v6;
	s3 =	sadd.s32 s3, s2  }
0xab: {  	v10 =	vadd.s32 s3, v11  }
0xac: {  	v8 =	vbroadcast v9, $0xF;
	v9 =	vsub.s32 v10, v9;
	_ =	sdelay $0x2  }
0xad: {  	v5 =	vld [tilespmem:s1+$0x0];
	v8 =	vadd.s32 v8, v9;
	v9, _, _ =	vpop (xrf0)  }
0xae: {  	(v2sf) =	vpush v9, $0xF;
	v10, _, _ =	vpop (xrf0)  }
0xaf: {  	(v2sf) =	vpush v10, $0xF  }
0xb0: {  	p4 =	por $0x0, $0x0  }
.Ltmp10:
0xb1: {  	_ = 	snop;
	(pc) =	sbr.rel @p4 .LBB2_19-.Ltmp10, $4  }
0xb2: {  	vm9 =	vgt.s32 v8, $0x12B;
	(xrf0) =	vadd.scan.msk.s32 $0xffff, v5  }
0xb3: {  	v8 =	vmpcnt.ones.xlane vm9  }
0xb4: {  	s5 =	simm.s32 $0x11B20;
	s7 =	simm.s32 $0x8000019F;
	p3 =	por $0x1, $0x1  }
0xb5: {  	s19 =	simm.s32 $0x800001DF;
	s1 =	simm.s32 $0xFFFFFFFF;
	s2 =	simm.s32 $0x800001EF;
	v8 =	vxor.u32 $0x80000000, v8  }
.LBB2_20:
0xb6: {  	v10 =	vld [tilespmem:s5+$0x0];
	p4 =	seq.s32 s7, $0x7FFFFFFF;
	s8 =	spop (v2sf);
	(xrf0) =	vmax.scan.msk.u32 $0xffff, v8;
	s9 =	smov.u32 s31  }
0xb7: {  	s31 =	smov.u32 s13;
	s13 =	smov.u32 s6;
	s3 =	sadd.s32 s3, s8  }
0xb8: {  	v11 =	vbroadcast v9, $0xF;
	s6 =	smov.u32 s7;
	v8, _, _ =	vpop (xrf0);
	v12 =	vadd.s32 s3, v7;
	v7 =	vmov v5  }
0xb9: {  	(v2sf) =	vpush v8, $0xF;
	v12 =	vsub.s32 v12, v9;
	v9 =	vmov v8  }
.Ltmp11:
0xba: {  	v8 =	vadd.s32 v11, v12;
	s8 =	spop (v2sf);
	(pc) =	sbr.rel @!p4 .LBB2_20-.Ltmp11, $4  }
0xbb: {  	(xrf0) =	vadd.scan.msk.s32 $0xffff, v10;
	vm9 =	vgt.s32 v8, $0x12B;
	s10 =	sxor.u32 $0x80000000, s8;
	v5 =	vmov v10  }
0xbc: {  	s8 =	sadd.s32 s2, s8;
	s2 =	smov.u32 s19;
	v8 =	vmpcnt.ones.xlane vm9;
	v10, _, _ =	vpop (xrf0);
	p5 =	sgt.s32 s10, $0x0  }
0xbd: {  	s19 =	smov.u32 s9;
	(v2sf) =	vpush v10, $0xF;
	s8 =	simm.s32 @!p5 $0xFFFFFFFF;
	p5 =	slt.s32 s1, $0x0  }
0xbe: {  	s5 =	sadd.s32 $0xFFFFFFF0, s5;
	s7 =	sadd.s32 $0xFFFFFFF0, s7;
	v8 =	vxor.u32 $0x80000000, v8;
	s1 =	smov.u32 @p5 s8  }
0xbf: {  	s5 =	smov.u32 s31;
	s31 =	smov.u32 s6;
	v10 =	vmov v7  }
.LBB2_22:
0xc0: {  	_ =	sdelay $0x1  }
0xc1: {  	s6 =	spop @p1 (v2sf)  }
0xc2: {  	s3 =	sadd.s32 @p1 s3, s6;
	s6 =	smov.u32 s30  }
0xc3: {  	s6 =	smov.u32 @p1 s3  }
0xc4: {  	v7 =	vbroadcast @p0 v9, $0xF;
	v10 =	vadd.s32 @p0 s6, v10  }
0xc5: {  	v9 =	vsub.s32 @p0 v10, v9  }
0xc6: {  	s3 =	spop @p3 (v2sf);
	v7 =	vadd.s32 @p0 v7, v9  }
0xc7: {  	s7 =	spop @p0 (v2sf)  }
0xc8: {  	vm9 =	vgt.s32 @p0 v7, $0x12B;
	s6 =	sadd.s32 @p0 s6, s7  }
0xc9: {  	(xrf0) =	vmax.scan.msk.u32 @p1 $0xffff, v8;
	v8 =	vmpcnt.ones.xlane @p0 vm9;
	v7, _, _ =	vpop (xrf0);
	s30 =	smov.u32 @p0 s6  }
0xca: {  	v63 =	vbroadcast v7, $0xF;
	v5 =	vadd.s32 s30, v5  }
0xcb: {  	v8 =	vxor.u32 @p0 $0x80000000, v8;
	v5 =	vsub.s32 v5, v7  }
0xcc: {  	v6 =	vpsel p0, v8, v6;
	v5 =	vadd.s32 v63, v5  }
0xcd: {  	(xrf0) =	vmax.scan.msk.u32 @p0 $0xffff, v6;
	vm9 =	vgt.s32 v5, $0x12B  }
0xce: {  	v5 =	vmpcnt.ones.xlane vm9  }
0xcf: {  	(v2sf) =	vpush v7, $0xF;
	v6, _, _ =	vpop @p1 (xrf0)  }
0xd0: {  	(v2sf) =	vpush @p1 v6, $0xF;
	v5 =	vxor.u32 $0x80000000, v5  }
0xd1: {  	(xrf0) =	vmax.scan.msk.u32 $0xffff, v5;
	_ =	sdelay $0x1  }
0xd2: {  	v5, _, _ =	vpop @p0 (xrf0)  }
0xd3: {  	(v2sf) =	vpush @p0 v5, $0xF;
	_ =	sdelay $0x1  }
0xd4: {  	s6 =	sxor.u32 @p3 $0x80000000, s3  }
0xd5: {  	s0 =	smov.u32 @p1 s5;
	s2 =	sadd.s32 @p3 s2, s3;
	p4 =	sgt.s32 @p3 s6, $0x0;
	v5, _, _ =	vpop (xrf0)  }
0xd6: {  	s3 =	smov.u32 @p0 s13;
	p4 =	por !p4, !p3;
	s7 =	spop @p2 (v2sf);
	(v2sf) =	vpush v5, $0xF  }
0xd7: {  	s6 =	smov.u32 @p2 s19;
	s2 =	simm.s32 @p4 $0xFFFFFFFF;
	p4 =	slt.s32 @p3 s1, $0x0  }
0xd8: {  	s4 =	smov.u32 @p0 s3;
	s3 =	simm.s32 $0xFFFFFFFF;
	p4 =	por !p4, !p3  }
0xd9: {  	s2 =	smov.u32 @p4 s1;
	s1 =	smov.u32 @p2 s6;
	s6 =	sxor.u32 @p2 $0x80000000, s7  }
0xda: {  	s0 =	smov.u32 @p1 s0;
	s3 =	smov.u32 @p3 s2;
	p3 =	sgt.s32 @p2 s6, $0x0  }
0xdb: {  	s1 =	sadd.s32 @p2 s1, s7;
	p3 =	por !p3, !p2;
	p4 =	slt.s32 @p2 s3, $0x0  }
0xdc: {  	s1 =	simm.s32 @p3 $0xFFFFFFFF;
	p3 =	por !p4, !p2;
	s24 =	spop (v2sf)  }
0xdd: {  	s2 =	smov.u32 @p0 s4;
	s1 =	smov.u32 @p3 s3;
	s3 =	spop @p1 (v2sf)  }
0xde: {  	s4 =	simm.s32 $0xFFFFFFFF;
	s2 =	smov.u32 @p0 s2;
	s5 =	sxor.u32 @p1 $0x80000000, s3  }
0xdf: {  	s4 =	smov.u32 @p2 s1;
	s1 =	smov.u32 @p0 s2;
	p2 =	sgt.s32 @p1 s5, $0x0  }
0xe0: {  	p3 =	slt.s32 @p1 s4, $0x0;
	s0 =	sadd.s32 @p1 s0, s3;
	p2 =	por !p2, !p1  }
0xe1: {  	s0 =	simm.s32 @p2 $0xFFFFFFFF;
	p2 =	por !p3, !p1;
	s2 =	spop @p0 (v2sf)  }
0xe2: {  	s3 =	simm.s32 $0xFFFFFFFF;
	s0 =	smov.u32 @p2 s4;
	s4 =	sxor.u32 @p0 $0x80000000, s2  }
0xe3: {  	s1 =	smov.u32 @p0 s1;
	s3 =	smov.u32 @p1 s0;
	p1 =	sgt.s32 @p0 s4, $0x0  }
0xe4: {  	p2 =	slt.s32 @p0 s3, $0x0;
	s0 =	sadd.s32 @p0 s1, s2;
	p1 =	por !p1, !p0  }
0xe5: {  	s0 =	simm.s32 @p1 $0xFFFFFFFF;
	p1 =	por !p2, !p0;
	s25 =	spop (v2sf)  }
0xe6: {  	s30 =	simm.s32 $0x11940;
	s0 =	smov.u32 @p1 s3;
	s26 =	sxor.u32 $0x80000000, s25  }
0xe7: {  	s29 =	smov.u32 @p0 s0;
	s0 =	sadd.s32 s31, s25;
	p0 =	sgt.s32 s26, $0x0  }
0xe8: {  	s31 =	simm.s32 $0x19980;
	s0 =	simm.s32 @!p0 $0xFFFFFFFF;
	p0 =	slt.s32 s29, $0x0  }
0xe9: {  	v5 =	vor.u32 s30, v2;
	[tilespmem:s31+$0x0] =	vst v0;
	s29 =	smov.u32 @p0 s0;
	s0 =	simm.s32 $0x19B80  }
0xea: {  	s1 =	simm.s32 $0x11950;
	s2 =	simm.s32 $0x19990;
	[tilespmem:s0+$0x0] =	vst v5  }
.LBB2_23:
0xeb: {  	[tilespmem:s2+$0x0] =	vst v0;
	v5 =	vor.u32 s1, v2;
	p0 =	seq.s32 s1, $0x11AB0;
	s1 =	sadd.s32 $0x10, s1;
	s0 =	sadd.s32 $0x10, s0  }
.Ltmp12:
0xec: {  	[tilespmem:s0+$0x0] =	vst v5;
	(pc) =	sbr.rel @!p0 .LBB2_23-.Ltmp12, $2  }
0xed: {  	_ =	sdelay $0x2  }
0xee: {  	s2 =	sadd.s32 $0x10, s2  }
0xef: {  	s0 =	sshll.u32 s28, $0x11;
	s1 =	sshll.u32 s29, $0x8  }
0xf0: {  	s0 =	sor.u32 s0, s1  }
0xf1: {  	v5 =	vmov s0;
	s0 =	simm.s32 $0x0  }
0xf2: {  	v6 =	vld [tilespmem:s0+$0x0];
	_ =	sdelay $0x4  }
0xf3: {  	v7 =	vshra.s32 v6, $0x1F  }
0xf4: {  	v7 =	vor.u32 $0x80000000, v7  }
0xf5: {  	v6 =	vxor.u32 v6, v7  }
0xf6: {  	vm9 =	vge.u32 v6, v5  }
0xf7: {  	v7 =	vmpcnt.ones.xlane vm9;
	_ =	sdelay $0x1  }
0xf8: {  	v7 =	vxor.u32 $0x80000000, v7  }
0xf9: {  	(xrf0) =	vmax.scan.msk.u32 $0xffff, v7;
	_ =	sdelay $0x5  }
0xfa: {  	[tilespmem:s0+$0x19980] =	vst.msk vm9, v6;
	v6, _, _ =	vpop (xrf0)  }
0xfb: {  	v7 =	vor.u32 s0, v2;
	(v2sf) =	vpush v6, $0xF  }
0xfc: {  	s1 =	simm.s32 $0x10;
	[tilespmem:s0+$0x19B80] =	vst.msk vm9, v7  }
0xfd: {  	s2 =	simm.s32 $0x20;
	s3 =	simm.s32 $0x10;
	v6 =	vld [tilespmem:s1+$0x0]  }
.LBB2_25:
0xfe: {  	p0 =	sne.s32 s2, $0x11930;
	_ =	sdelay $0x3  }
0xff: {  	v7 =	vshra.s32 v6, $0x1F  }
0x100: {  	v7 =	vor.u32 $0x80000000, v7  }
0x101: {  	v6 =	vxor.u32 v6, v7  }
0x102: {  	vm9 =	vge.u32 v6, v5  }
0x103: {  	v7 =	vmpcnt.ones.xlane vm9;
	_ =	sdelay $0x1  }
0x104: {  	v7 =	vxor.u32 $0x80000000, v7  }
0x105: {  	(xrf0) =	vmax.scan.msk.u32 $0xffff, v7  }
0x106: {  	s4 =	spop (v2sf)  }
0x107: {  	s0 =	sadd.s32 s4, s0  }
0x108: {  	s0 =	sadd.s32 $0x80000000, s0  }
0x109: {  	p1 =	slt.s32 s0, $0x170  }
.Ltmp13:
0x10a: {  	s0 =	simm.s32 @!p1 $0x170;
	(pc) =	sbr.rel @p0 .LBB2_25-.Ltmp13, $4  }
0x10b: {  	v7 =	vor.u32 s1, v2;
	s1 =	smov.u32 s2;
	[tilespmem:s0+$0x19980] =	vst.msk vm9, v6;
	v6, _, _ =	vpop (xrf0)  }
0x10c: {  	[tilespmem:s0+$0x19B80] =	vst.msk vm9, v7;
	(v2sf) =	vpush v6, $0xF  }
0x10d: {  	s3 =	sadd.s32 $0x10, s3  }
0x10e: {  	s2 =	sadd.s32 $0x10, s2;
	v6 =	vld [tilespmem:s3+$0x0]  }
0x10f: {  	_ =	sdelay $0x8  }
0x110: {  	v7 =	vshra.s32 v6, $0x1F  }
0x111: {  	v7 =	vor.u32 $0x80000000, v7  }
0x112: {  	v6 =	vxor.u32 v6, v7  }
0x113: {  	vm9 =	vge.u32 v6, v5;
	s2 =	spop (v2sf)  }
0x114: {  	v5 =	vmpcnt.ones.xlane vm9;
	s0 =	sadd.s32 s2, s0  }
0x115: {  	s0 =	sadd.s32 $0x80000000, s0  }
0x116: {  	v5 =	vxor.u32 $0x80000000, v5;
	p0 =	slt.s32 s0, $0x170  }
0x117: {  	(xrf0) =	vmax.scan.msk.u32 $0xffff, v5;
	s0 =	simm.s32 @!p0 $0x170  }
0x118: {  	v5 =	vor.u32 s1, v2;
	[tilespmem:s0+$0x19980] =	vst.msk vm9, v6  }
0x119: {  	s11 =	simm.s32 $0x0;
	[tilespmem:s0+$0x19B80] =	vst.msk vm9, v5  }
0x11a: {  	v5 =	vld [tilespmem:s11+$0x19B80];
	_ =	sdelay $0x2  }
0x11b: {  	v6, _, _ =	vpop (xrf0)  }
0x11c: {  	(v2sf) =	vpush v6, $0xF  }
0x11d: {  	(v2sf) =	vpush v5, $0x7;
	_ =	sdelay $0x1  }
0x11e: {  	(v2sf) =	vpush v5, $0x0  }
0x11f: {  	(v2sf) =	vpush v5, $0x1;
	_ =	sdelay $0x1  }
0x120: {  	(v2sf) =	vpush v5, $0x2;
	_ =	sdelay $0x2  }
0x121: {  	(v2sf) =	vpush v5, $0x3;
	_ =	sdelay $0x1  }
0x122: {  	(v2sf) =	vpush v5, $0x4;
	_ =	sdelay $0x1  }
0x123: {  	(v2sf) =	vpush v5, $0xC  }
0x124: {  	(v2sf) =	vpush v5, $0xD  }
0x125: {  	s13 =	spop (v2sf)  }
0x126: {  	s12 =	simm.s32 $0x0;
	s0 =	spop (v2sf)  }
0x127: {  	[dreg:$0x4] =	wrdreg s12;
	(v2sf) =	vpush v5, $0xE;
	s14 =	smulhi.u32 $0x66666667, s0;
	s0 =	sshra.s32 s0, $0x1F  }
0x128: {  	s15 =	spop (v2sf);
	s0 =	smul.u32 $0x66666667, s0  }
0x129: {  	(v2sf) =	vpush v5, $0x8;
	s3 =	spop (v2sf);
	s12 =	smulhi.u32 $0x66666667, s15  }
0x12a: {  	s15 =	sshra.s32 s15, $0x1F;
	s4 =	smulhi.u32 $0x66666667, s3  }
0x12b: {  	(v2sf) =	vpush v5, $0x9;
	s5 =	spop (v2sf);
	s15 =	smul.u32 $0x66666667, s15  }
0x12c: {  	s3 =	sshra.s32 s3, $0x1F;
	s6 =	smulhi.u32 $0x66666667, s5  }
0x12d: {  	(v2sf) =	vpush v5, $0xF;
	s5 =	sshra.s32 s5, $0x1F;
	s3 =	smul.u32 $0x66666667, s3  }
0x12e: {  	s7 =	spop (v2sf);
	s5 =	smul.u32 $0x66666667, s5  }
0x12f: {  	s18 =	simm.s32 $0x10;
	(v2sf) =	vpush v5, $0xA;
	s9 =	smulhi.u32 $0x66666667, s7;
	s7 =	sshra.s32 s7, $0x1F  }
0x130: {  	s0 =	sadd.s32 s0, s14;
	s8 =	spop (v2sf);
	s7 =	smul.u32 $0x66666667, s7  }
0x131: {  	(v2sf) =	vpush v5, $0xB;
	s19 =	sshra.s32 s0, $0x1F;
	s10 =	sshra.s32 s8, $0x1F;
	s17 =	smulhi.u32 $0x66666667, s8  }
0x132: {  	s11 =	spop (v2sf);
	s4 =	sadd.s32 s3, s4;
	s10 =	smul.u32 $0x66666667, s10  }
0x133: {  	s13 =	spop (v2sf);
	s16 =	sshra.s32 s11, $0x1F;
	s11 =	smulhi.u32 $0x66666667, s11  }
0x134: {  	s12 =	sadd.s32 s15, s12;
	s3 =	sshra.s32 s4, $0x5;
	s14 =	smulhi.u32 $0x66666667, s13  }
0x135: {  	s2 =	sshra.s32 s4, $0x1F;
	s5 =	sadd.s32 s5, s6;
	s1 =	smul.u32 $0x66666667, s16  }
0x136: {  	(v2sf) =	vpush v5, $0x5;
	s26 =	spop (v2sf);
	s13 =	sshra.s32 s13, $0x1F;
	s16 =	sshrl.u32 s4, $0x1F  }
0x137: {  	s4 =	sshra.s32 s5, $0x5;
	s9 =	sadd.s32 s7, s9;
	s30 =	smulhi.u32 $0x66666667, s26  }
0x138: {  	s31 =	spop (v2sf);
	s26 =	sshra.s32 s26, $0x1F;
	s6 =	sadd.s32 s10, s17  }
0x139: {  	s10 =	sshrl.u32 s5, $0x1F;
	s17 =	simm.s32 $0x10;
	s13 =	smul.u32 $0x66666667, s13  }
0x13a: {  	v6 =	vld [tilespmem:s18+$0x19B80];
	s5 =	sshra.s32 s5, $0x1F;
	s22 =	spop (v2sf);
	s28 =	smul.u32 $0x66666667, s26  }
0x13b: {  	[dreg:$0x5] =	wrdreg s17;
	s29 =	smulhi.u32 $0x66666667, s22;
	s8 =	sshra.s32 s22, $0x1F  }
0x13c: {  	s11 =	sadd.s32 s1, s11;
	s8 =	smul.u32 $0x66666667, s8;
	s25 =	spop (v2sf)  }
0x13d: {  	(v2sf) =	vpush v5, $0x6;
	s13 =	sadd.s32 s13, s14;
	s21 =	smulhi.u32 $0x66666667, s25;
	s25 =	sshra.s32 s25, $0x1F  }
0x13e: {  	s18 =	sshra.s32 s13, $0x5;
	s22 =	spop (v2sf);
	s25 =	smul.u32 $0x66666667, s25  }
0x13f: {  	(v2sf) =	vpush v6, $0x7;
	s8 =	sadd.s32 s8, s29;
	s23 =	smulhi.u32 $0x66666667, s22;
	s24 =	sshra.s32 s22, $0x1F  }
0x140: {  	(v2sf) =	vpush v6, $0x0;
	s22 =	sadd.s32 s28, s30;
	s20 =	spop (v2sf);
	s7 =	smul.u32 $0x66666667, s24  }
0x141: {  	(v2sf) =	vpush v6, $0x1;
	s24 =	sshrl.u32 s11, $0x1F;
	s11 =	sshra.s32 s11, $0x5;
	s21 =	sadd.s32 s25, s21  }
0x142: {  	v63 =	vld [tilespmem:$0x1FFF0];
	(v2sf) =	vpush v6, $0x2;
	s25 =	sshrl.u32 s9, $0x1F;
	s15 =	smulhi.u32 $0x66666667, s20;
	s26 =	sshra.s32 s20, $0x1F  }
0x143: {  	(v2sf) =	vpush v6, $0x3;
	s1 =	sadd.s32 s7, s23;
	s23 =	sshra.s32 s31, $0x1F;
	s31 =	smulhi.u32 $0x66666667, s31  }
0x144: {  	(v2sf) =	vpush v6, $0x4;
	s20 =	sshra.s32 s12, $0x5;
	v8 =	vmov s24;
	s24 =	sshrl.u32 s13, $0x1F;
	s29 =	smul.u32 $0x66666667, s26  }
0x145: {  	vm7 =	vcmask $0x1714;
	(v2sf) =	vpush v6, $0xC;
	v10 =	vmov s11;
	s11 =	sshrl.u32 s8, $0x1F;
	s30 =	spop (v2sf);
	s23 =	smul.u32 $0x66666667, s23  }
0x146: {  	vm14 =	vmmov vm12;
	v7 =	vmov s19;
	(v2sf) =	vpush v6, $0xD;
	s13 =	sshrl.u32 s22, $0x1F;
	s19 =	smulhi.u32 $0x66666667, s30;
	s28 =	sshra.s32 s30, $0x1F  }
0x147: {  	vm11 =	vcmask $0x3B38;
	vm13 =	vnez.u8 v63;
	s8 =	sshra.s32 s8, $0x5;
	(v2sf) =	vpush v6, $0xE;
	s7 =	sshra.s32 s9, $0x5;
	s17 =	smul.u32 $0x66666667, s28  }
0x148: {  	v7 =	vsel vm3, s20, v7;
	v8 =	vsel vm0, s24, v8;
	(v2sf) =	vpush v6, $0x8;
	s23 =	sadd.s32 s23, s31;
	s31 =	sshrl.u32 s12, $0x1F;
	s12 =	sshra.s32 s12, $0x1F  }
0x149: {  	s20 =	sshrl.u32 s21, $0x1F;
	s30 =	simm.s32 $0x80;
	v8 =	vsel vm1, s13, v8;
	v9 =	vmov s31;
	v11 =	vsel vm8, s12, v7;
	s12 =	sadd.s32 s29, s15  }
0x14a: {  	v8 =	vsel vm2, s20, v8;
	v7 =	vsel vm0, s18, v10;
	s26 =	sshrl.u32 s23, $0x1F;
	s29 =	sadd.s32 s17, s19;
	s17 =	sshra.s32 s23, $0x5;
	v9 =	vnsel vm3, $0x0, v9  }
0x14b: {  	s14 =	sshrl.u32 s1, $0x1F;
	s13 =	sshra.s32 s21, $0x5;
	s24 =	sshra.s32 s1, $0x5;
	v10 =	vsel vm0, s3, v11;
	v11 =	vmov s26;
	v12 =	vmov s17  }
0x14c: {  	s28 =	sshra.s32 s9, $0x1F;
	s15 =	sshra.s32 s6, $0x5;
	v9 =	vsel vm0, s16, v9;
	v10 =	vsel vm10, s2, v10;
	v11 =	vsel vm0, s11, v11;
	s16 =	spop (v2sf)  }
0x14d: {  	s18 =	sshra.s32 s6, $0x1F;
	s6 =	sshrl.u32 s6, $0x1F;
	v12 =	vsel vm0, s8, v12;
	(v2sf) =	vpush v6, $0x9;
	v9 =	vsel vm1, s10, v9;
	s19 =	sshra.s32 s16, $0x1F  }
0x14e: {  	v10 =	vsel vm1, s4, v10;
	v11 =	vsel vm1, s14, v11;
	s4 =	sshra.s32 s22, $0x5;
	s22 =	sshrl.u32 s12, $0x1F;
	s23 =	smulhi.u32 $0x66666667, s16;
	v9 =	vsel vm2, s25, v9  }
0x14f: {  	s31 =	sshra.s32 s0, $0x5;
	s3 =	sshrl.u32 s0, $0x1F;
	v10 =	vsel vm7, s5, v10;
	s11 =	smul.u32 $0x66666667, s19;
	v11 =	vsel vm2, s22, v11;
	vm7 =	vmmov vm4  }
0x150: {  	s26 =	sshrl.u32 s29, $0x1F;
	s1 =	sshra.s32 s29, $0x1F;
	v10 =	vsel vm2, s7, v10;
	v9 =	vsel vm4, s6, v9;
	s6 =	sshra.s32 s29, $0x5;
	v8 =	vcombine.low v11, v8  }
0x151: {  	s29 =	spop (v2sf);
	s7 =	sshra.s32 s12, $0x5;
	(v2sf) =	vpush v6, $0xF;
	s25 =	sadd.s32 s11, s23;
	v13 =	vsel vm12, s28, v10;
	v9 =	vsel vm5, s26, v9  }
0x152: {  	v10 =	vsel vm1, s24, v12;
	s0 =	smulhi.u32 $0x66666667, s29;
	s10 =	sshra.s32 s29, $0x1F;
	s28 =	sshrl.u32 s25, $0x1F;
	v11 =	vsel vm4, s15, v13;
	vm4 =	vmmov vm3  }
0x153: {  	s8 =	spop (v2sf);
	s2 =	sshra.s32 s25, $0x5;
	s19 =	sshra.s32 s25, $0x1F;
	vm3 =	vcmask $0x2F2C;
	v9 =	vsel vm6, s28, v9;
	v11 =	vsel vm15, s18, v11  }
.LBB2_27:
0x154: {  	s9 =	smul.u32 $0x66666667, s10  }
0x155: {  	s5 =	sshra.s32 s8, $0x1F;
	s11 =	smulhi.u32 $0x66666667, s8  }
0x156: {  	s5 =	smul.u32 $0x66666667, s5;
	s12 =	spop (v2sf)  }
0x157: {  	v7 =	vsel vm1, s4, v7;
	s4 =	smulhi.u32 $0x66666667, s12;
	s16 =	spop (v2sf)  }
0x158: {  	s14 =	smov.u32 s30;
	s15 =	sshra.s32 s12, $0x1F;
	s17 =	smulhi.u32 $0x66666667, s16  }
0x159: {  	v10 =	vsel vm2, s7, v10;
	p0 =	sne.s32 s30, $0x5C0;
	s7 =	sshra.s32 s16, $0x1F;
	s18 =	smul.u32 $0x66666667, s15  }
0x15a: {  	v11 =	vsel vm5, s6, v11;
	s0 =	sadd.s32 s9, s0;
	s21 =	spop (v2sf);
	s22 =	smul.u32 $0x66666667, s7  }
0x15b: {  	vm9 =	vcmask $0x3734;
	v7 =	vsel vm2, s13, v7;
	v11 =	vsel vm3, s1, v11;
	s20 =	sshra.s32 s0, $0x1F;
	s23 =	sshra.s32 s21, $0x1F;
	s25 =	smulhi.u32 $0x66666667, s21  }
0x15c: {  	v7 =	vcombine.low v10, v7;
	v10 =	vsel vm6, s2, v11;
	(v2sf) =	vpush v6, $0xA;
	s24 =	spop (v2sf);
	s2 =	sadd.s32 s18, s4;
	s7 =	smul.u32 $0x66666667, s23  }
0x15d: {  	v9 =	vsel vm11, s3, v9;
	v10 =	vsel vm9, s19, v10;
	(v2sf) =	vpush v6, $0xB;
	s26 =	sshra.s32 s24, $0x1F;
	s28 =	spop (v2sf);
	s21 =	smulhi.u32 $0x66666667, s24  }
0x15e: {  	v8 =	vperm.xlane v8, v3;
	v9 =	vperm.xlane v9, v4;
	v10 =	vsel vm11, s31, v10;
	s9 =	smul.u32 $0x66666667, s26;
	s31 =	sshra.s32 s2, $0x5;
	s13 =	sshra.s32 s2, $0x1F  }
0x15f: {  	v11 =	vmov s20;
	v7 =	vperm.xlane v7, v3;
	v10 =	vperm.xlane v10, v4;
	s12 =	spop (v2sf);
	s14 =	sshra.s32 s28, $0x1F;
	s20 =	smulhi.u32 $0x66666667, s28  }
0x160: {  	(v2sf) =	vpush v6, $0x5;
	s3 =	sadd.s32 s22, s17;
	s4 =	sshrl.u32 s2, $0x1F;
	s8 =	smulhi.u32 $0x66666667, s12  }
0x161: {  	v8 =	vsel vm13, v9, v8;
	v7 =	vsel vm13, v10, v7;
	s15 =	sshra.s32 s12, $0x1F;
	s29 =	smul.u32 $0x66666667, s14;
	s16 =	spop (v2sf)  }
0x162: {  	v7 =	vadd.s32 v8, v7;
	s2 =	sshra.s32 s3, $0x5;
	s1 =	sshrl.u32 s3, $0x1F;
	s14 =	smulhi.u32 $0x66666667, s16  }
0x163: {  	v8 =	vmul.u32 $0xFFFFFFB0, v7;
	s16 =	sshra.s32 s16, $0x1F;
	s21 =	sadd.s32 s9, s21;
	s9 =	smul.u32 $0x66666667, s15  }
0x164: {  	v9 =	vsub.s32 $0x0, v5;
	s25 =	sadd.s32 s7, s25;
	s26 =	spop (v2sf);
	s16 =	smul.u32 $0x66666667, s16  }
0x165: {  	vm12 =	vmmov vm10;
	vm9 =	vlt.s32 v5, $0x1;
	vm10 =	vne.s32 v8, v9;
	s19 =	sshra.s32 s26, $0x1F;
	s17 =	spop (v2sf);
	s26 =	smulhi.u32 $0x66666667, s26  }
0x166: {  	s3 =	sshra.s32 s3, $0x1F;
	vm9 =	vmand vm9, vm10;
	s7 =	sshra.s32 s25, $0x5;
	s22 =	smulhi.u32 $0x66666667, s17  }
0x167: {  	v5 =	vmov v6;
	v6 =	vsel vm9, $0xFFFFFFFF, v0;
	s12 =	sadd.s32 s29, s20;
	s6 =	sshra.s32 s17, $0x1F;
	s19 =	smul.u32 $0x66666667, s19  }
0x168: {  	s23 =	spop (v2sf);
	v6 =	vadd.s32 v6, v7;
	s18 =	sshrl.u32 s12, $0x1F;
	s6 =	smul.u32 $0x66666667, s6  }
0x169: {  	s28 =	sshra.s32 s12, $0x5;
	s20 =	smulhi.u32 $0x66666667, s23;
	vm9 =	vlt.s32 v6, $0x383;
	s23 =	sshra.s32 s23, $0x1F  }
0x16a: {  	(v2sf) =	vpush v5, $0x6;
	s16 =	sadd.s32 s16, s14;
	v7 =	vnsel vm9, $0x383, v6;
	s19 =	sadd.s32 s19, s26;
	s22 =	sadd.s32 s6, s22  }
0x16b: {  	s6 =	sshra.s32 s30, $0x2;
	s14 =	sshra.s32 s22, $0x5;
	s24 =	spop (v2sf)  }
0x16c: {  	v8 =	vmov s18;
	v6 =	vld [tilespmem:s6+$0x19B80];
	s22 =	sshrl.u32 s22, $0x1F;
	s18 =	smulhi.u32 $0x66666667, s24;
	s29 =	spop (v2sf)  }
0x16d: {  	s10 =	sshra.s32 s24, $0x1F;
	s12 =	smulhi.u32 $0x66666667, s29;
	s24 =	sshra.s32 s29, $0x1F  }
0x16e: {  	s17 =	smul.u32 $0x66666667, s10;
	s10 =	sshrl.u32 s25, $0x1F;
	s29 =	simm.s32 $0x19D80  }
0x16f: {  	v9 =	vmov s28;
	v7 =	vld.idx.msk [tilespmem:v7+s29+$0x0], $0xffff;
	s29 =	sadd.s32 s5, s11;
	s24 =	smul.u32 $0x66666667, s24;
	s28 =	spop (v2sf)  }
0x170: {  	s15 =	sadd.s32 s17, s18;
	s11 =	sshrl.u32 s29, $0x1F;
	s18 =	smul.u32 $0x66666667, s23  }
0x171: {  	s17 =	sadd.s32 $0x40, s30;
	(v2sf) =	vpush v6, $0x7;
	s5 =	smulhi.u32 $0x66666667, s28;
	s23 =	sshra.s32 s28, $0x1F  }
0x172: {  	v10 =	vmov s11;
	s28 =	sadd.s32 s9, s8;
	s9 =	sshra.s32 s29, $0x5;
	(v2sf) =	vpush v6, $0x0;
	s11 =	sshra.s32 s25, $0x1F  }
0x173: {  	s8 =	sshra.s32 s21, $0x5;
	s29 =	sshra.s32 s29, $0x1F;
	s26 =	sshrl.u32 s15, $0x1F  }
0x174: {  	vm10 =	vmmov vm12;
	vm9 =	vcmask $0x1714;
	s12 =	sadd.s32 s24, s12;
	s15 =	sshra.s32 s15, $0x5;
	s30 =	smov.u32 s17  }
0x175: {  	s18 =	sadd.s32 s18, s20;
	v10 =	vnsel vm4, $0x0, v10;
	(v2sf) =	vpush v6, $0x1;
	v11 =	vsel vm4, s9, v11;
	s25 =	sshra.s32 s28, $0x5;
	s28 =	sshrl.u32 s28, $0x1F  }
0x176: {  	s20 =	sshrl.u32 s16, $0x1F;
	s23 =	smul.u32 $0x66666667, s23;
	s9 =	rddreg [dreg:$0x4];
	(v2sf) =	vpush v6, $0x2;
	v10 =	vsel vm0, s4, v10;
	v8 =	vsel vm0, s28, v8  }
0x177: {  	s4 =	sshra.s32 s16, $0x5;
	s28 =	sshra.s32 s19, $0x5;
	[tilespmem:s9+$0x1B280] =	vst v7;
	s9 =	sshra.s32 s21, $0x1F;
	(v2sf) =	vpush v6, $0x3;
	v7 =	vsel vm0, s25, v9;
	v9 =	vsel vm8, s29, v11  }
0x178: {  	s21 =	sshrl.u32 s21, $0x1F;
	s29 =	sshrl.u32 s19, $0x1F;
	s5 =	sadd.s32 s23, s5;
	v10 =	vsel vm1, s1, v10;
	v12 =	vmov s28;
	v8 =	vsel vm1, s20, v8  }
0x179: {  	s19 =	sshrl.u32 s12, $0x1F;
	s23 =	rddreg [dreg:$0x5];
	s25 =	spop (v2sf);
	(v2sf) =	vpush v6, $0x4;
	v9 =	vsel vm0, s31, v9;
	v11 =	vmov s29  }
0x17a: {  	s29 =	sshrl.u32 s18, $0x1F;
	v10 =	vsel vm2, s10, v10;
	s24 =	smov.u32 s23;
	v12 =	vsel vm0, s14, v12;
	s31 =	sshra.s32 s0, $0x5;
	v9 =	vsel vm12, s13, v9  }
0x17b: {  	(v2sf) =	vpush v6, $0xC;
	s13 =	sshra.s32 s18, $0x5;
	v11 =	vsel vm0, s22, v11;
	s18 =	sshra.s32 s25, $0x1F;
	s22 =	smulhi.u32 $0x66666667, s25;
	v8 =	vsel vm2, s29, v8  }
0x17c: {  	[dreg:$0x4] =	wrdreg s24;
	s25 =	smov.u32 s6;
	v10 =	vsel vm7, s21, v10;
	v9 =	vsel vm1, s2, v9;
	(v2sf) =	vpush v6, $0xD;
	s1 =	smul.u32 $0x66666667, s18  }
.Ltmp14:
0x17d: {  	s6 =	sshra.s32 s5, $0x5;
	v11 =	vsel vm1, s26, v11;
	[dreg:$0x5] =	wrdreg s25;
	(v2sf) =	vpush v6, $0xE;
	v9 =	vsel vm9, s3, v9;
	(pc) =	sbr.rel @p0 .LBB2_27-.Ltmp14, $4  }
0x17e: {  	s26 =	sshrl.u32 s5, $0x1F;
	s3 =	sshrl.u32 s0, $0x1F;
	v11 =	vsel vm2, s19, v11;
	v9 =	vsel vm2, s7, v9;
	s10 =	sadd.s32 s1, s22;
	(v2sf) =	vpush v6, $0x8  }
0x17f: {  	s1 =	sshra.s32 s5, $0x1F;
	v8 =	vcombine.low v11, v8;
	v11 =	vsel vm5, s26, v10;
	s7 =	sshra.s32 s12, $0x5;
	v9 =	vsel vm14, s11, v9;
	s28 =	sshrl.u32 s10, $0x1F  }
0x180: {  	v10 =	vsel vm1, s15, v12;
	s2 =	sshra.s32 s10, $0x5;
	(v2sf) =	vpush v6, $0x9;
	s19 =	sshra.s32 s10, $0x1F;
	v63 =	vsel vm7, s8, v9;
	s29 =	spop (v2sf)  }
0x181: {  	v9 =	vsel vm6, s28, v11;
	v11 =	vsel vm15, s9, v63;
	(v2sf) =	vpush v6, $0xF;
	s0 =	smulhi.u32 $0x66666667, s29;
	s10 =	sshra.s32 s29, $0x1F;
	s8 =	spop (v2sf)  }
0x182: {  	_ =	sdelay $0x1  }
0x183: {  	s5 =	smul.u32 $0x66666667, s10;
	s9 =	spop (v2sf)  }
0x184: {  	s10 =	smulhi.u32 $0x66666667, s9;
	s11 =	spop (v2sf)  }
0x185: {  	s9 =	sshra.s32 s9, $0x1F;
	s12 =	smulhi.u32 $0x66666667, s11  }
0x186: {  	s11 =	sshra.s32 s11, $0x1F;
	s9 =	smul.u32 $0x66666667, s9  }
0x187: {  	s14 =	spop (v2sf);
	s11 =	smul.u32 $0x66666667, s11  }
0x188: {  	s16 =	smulhi.u32 $0x66666667, s14;
	s14 =	sshra.s32 s14, $0x1F  }
0x189: {  	s15 =	spop (v2sf);
	s14 =	smul.u32 $0x66666667, s14  }
0x18a: {  	(v2sf) =	vpush v6, $0xA;
	s17 =	sshra.s32 s15, $0x1F;
	s15 =	smulhi.u32 $0x66666667, s15  }
0x18b: {  	s18 =	spop (v2sf);
	s29 =	smul.u32 $0x66666667, s17  }
0x18c: {  	[dreg:$0x13] =	wrdreg s5;
	s20 =	sshra.s32 s18, $0x1F;
	s18 =	smulhi.u32 $0x66666667, s18  }
0x18d: {  	s12 =	sadd.s32 s11, s12;
	s21 =	spop (v2sf);
	s20 =	smul.u32 $0x66666667, s20  }
0x18e: {  	(v2sf) =	vpush v6, $0xB;
	s17 =	sshra.s32 s8, $0x1F;
	[dreg:$0x14] =	wrdreg s29;
	s29 =	smulhi.u32 $0x66666667, s8  }
0x18f: {  	v11 =	vsel vm5, s6, v11;
	s6 =	sshra.s32 s12, $0x1F;
	s22 =	spop (v2sf);
	s8 =	smul.u32 $0x66666667, s17  }
0x190: {  	s17 =	rddreg [dreg:$0x13];
	s26 =	smulhi.u32 $0x66666667, s22;
	s22 =	sshra.s32 s22, $0x1F  }
0x191: {  	(v2sf) =	vpush v6, $0x5;
	s23 =	spop (v2sf);
	s0 =	sadd.s32 s17, s0;
	s22 =	smul.u32 $0x66666667, s22  }
0x192: {  	[dreg:$0x12] =	wrdreg s0;
	s0 =	sadd.s32 s9, s10;
	s10 =	smulhi.u32 $0x66666667, s21  }
0x193: {  	s18 =	sadd.s32 s20, s18;
	s21 =	sshra.s32 s21, $0x1F;
	s24 =	spop (v2sf)  }
0x194: {  	s9 =	sadd.s32 s14, s16;
	s25 =	smulhi.u32 $0x66666667, s24;
	s24 =	sshra.s32 s24, $0x1F  }
0x195: {  	v11 =	vsel vm3, s1, v11;
	s16 =	sshra.s32 s0, $0x1F;
	s28 =	spop (v2sf);
	s24 =	smul.u32 $0x66666667, s24  }
0x196: {  	v11 =	vsel vm6, s2, v11;
	s1 =	sshrl.u32 s18, $0x1F;
	s2 =	sshra.s32 s18, $0x5;
	s20 =	smulhi.u32 $0x66666667, s28  }
0x197: {  	s18 =	rddreg [dreg:$0x12];
	s17 =	sshra.s32 s28, $0x1F;
	s28 =	smul.u32 $0x66666667, s21  }
0x198: {  	vm3 =	vcmask $0x3734;
	s21 =	sadd.s32 s8, s29;
	s29 =	smul.u32 $0x66666667, s17;
	s17 =	rddreg [dreg:$0x14]  }
0x199: {  	v11 =	vsel vm3, s19, v11;
	s19 =	sshrl.u32 s21, $0x1F;
	s30 =	spop (v2sf);
	(v2sf) =	vpush v6, $0x6;
	s11 =	sadd.s32 s24, s25  }
0x19a: {  	v7 =	vsel vm1, s4, v7;
	s8 =	sadd.s32 s17, s15;
	s5 =	smulhi.u32 $0x66666667, s30;
	s30 =	sshra.s32 s30, $0x1F  }
0x19b: {  	v10 =	vsel vm2, s7, v10;
	v7 =	vsel vm2, s13, v7;
	s10 =	sadd.s32 s28, s10;
	s15 =	sshra.s32 s0, $0x5;
	s30 =	smul.u32 $0x66666667, s30  }
0x19c: {  	v9 =	vsel vm11, s3, v9;
	v8 =	vperm.xlane v8, v3;
	v7 =	vcombine.low v10, v7;
	s0 =	sshrl.u32 s0, $0x1F;
	s24 =	sshra.s32 s23, $0x1F;
	s17 =	sshra.s32 s18, $0x1F  }
0x19d: {  	v9 =	vperm.xlane v9, v4;
	v11 =	vsel vm11, s31, v11;
	v12 =	vmov s17;
	s17 =	sshrl.u32 s11, $0x1F;
	s25 =	spop (v2sf);
	s14 =	sadd.s32 s30, s5  }
0x19e: {  	v7 =	vperm.xlane v7, v3;
	v11 =	vperm.xlane v11, v4;
	s30 =	sadd.s32 s22, s26;
	s5 =	sadd.s32 s29, s20;
	s20 =	smulhi.u32 $0x66666667, s23  }
0x19f: {  	s22 =	sshra.s32 s12, $0x5;
	s23 =	sshrl.u32 s12, $0x1F;
	s12 =	smul.u32 $0x66666667, s24  }
0x1a0: {  	v8 =	vsel vm13, v9, v8;
	v7 =	vsel vm13, v11, v7;
	v13 =	vmov s19;
	s28 =	sshra.s32 s25, $0x1F;
	s24 =	smulhi.u32 $0x66666667, s25;
	s26 =	spop (v2sf)  }
0x1a1: {  	v59 =	vsub.s32 $0x0, v5;
	v7 =	vadd.s32 v8, v7;
	v13 =	vnsel vm4, $0x0, v13;
	s25 =	sshra.s32 s21, $0x5;
	s4 =	smul.u32 $0x66666667, s28;
	s28 =	sshra.s32 s21, $0x1F  }
0x1a2: {  	v57 =	vmul.u32 $0xFFFFFFB0, v7;
	v13 =	vsel vm0, s0, v13;
	s7 =	smulhi.u32 $0x66666667, s26;
	s29 =	sshra.s32 s26, $0x1F;
	v12 =	vsel vm4, s25, v12;
	s26 =	sshrl.u32 s9, $0x1F  }
0x1a3: {  	v14 =	vmov s1;
	v13 =	vsel vm1, s23, v13;
	s23 =	sshrl.u32 s30, $0x1F;
	s25 =	sshra.s32 s11, $0x5;
	s11 =	sshra.s32 s9, $0x1F;
	v12 =	vsel vm8, s28, v12  }
0x1a4: {  	v15 =	vmov s2;
	vm4 =	vcmask $0x2F2C;
	s12 =	sadd.s32 s12, s20;
	s3 =	smul.u32 $0x66666667, s29;
	s29 =	sshra.s32 s10, $0x5;
	v12 =	vsel vm0, s15, v12  }
0x1a5: {  	s2 =	sadd.s32 s4, s24;
	s10 =	sshrl.u32 s10, $0x1F;
	v13 =	vsel vm2, s26, v13;
	s13 =	sshrl.u32 s12, $0x1F;
	v15 =	vsel vm0, s29, v15;
	v12 =	vsel vm10, s16, v12  }
0x1a6: {  	s20 =	sshrl.u32 s14, $0x1F;
	s26 =	sshrl.u32 s5, $0x1F;
	v14 =	vsel vm0, s10, v14;
	s24 =	sshra.s32 s12, $0x5;
	v16 =	vmov s13;
	v12 =	vsel vm1, s22, v12  }
0x1a7: {  	s28 =	sshra.s32 s9, $0x5;
	s29 =	sshrl.u32 s8, $0x1F;
	s10 =	sshrl.u32 s2, $0x1F;
	v17 =	vmov s24;
	v14 =	vsel vm1, s23, v14;
	v12 =	vsel vm9, s6, v12  }
0x1a8: {  	s3 =	sadd.s32 s3, s7;
	v13 =	vsel vm7, s29, v13;
	s13 =	sshra.s32 s8, $0x5;
	v16 =	vsel vm0, s17, v16;
	v12 =	vsel vm2, s28, v12;
	s19 =	spop (v2sf)  }
0x1a9: {  	v14 =	vsel vm2, s26, v14;
	v17 =	vsel vm0, s25, v17;
	s12 =	sshrl.u32 s3, $0x1F;
	v52 =	vsel vm14, s11, v12;
	s21 =	sshra.s32 s19, $0x1F;
	s4 =	smulhi.u32 $0x66666667, s19  }
0x1aa: {  	s15 =	sshra.s32 s14, $0x5;
	s17 =	sshra.s32 s8, $0x1F;
	v16 =	vsel vm1, s20, v16;
	v53 =	vsel vm5, s12, v13;
	v10 =	vsel vm7, s13, v52;
	s0 =	smul.u32 $0x66666667, s21  }
0x1ab: {  	s2 =	sshra.s32 s2, $0x5;
	v54 =	vsel vm1, s15, v17;
	v16 =	vsel vm2, s10, v16;
	v10 =	vsel vm15, s17, v10;
	s19 =	sshra.s32 s30, $0x5;
	s21 =	sshra.s32 s3, $0x5  }
0x1ac: {  	s22 =	sshra.s32 s3, $0x1F;
	s20 =	sshra.s32 s5, $0x5;
	v13 =	vsel vm2, s2, v54;
	v15 =	vsel vm1, s19, v15;
	v10 =	vsel vm5, s21, v10;
	s0 =	sadd.s32 s0, s4  }
0x1ad: {  	v56 =	vcombine.low v16, v14;
	v15 =	vsel vm2, s20, v15;
	v55 =	vsel vm4, s22, v10;
	s23 =	sshra.s32 s0, $0x5  }
0x1ae: {  	vm10 =	vlt.s32 v5, $0x1;
	v58 =	vcombine.low v13, v15;
	s16 =	sshrl.u32 s0, $0x1F;
	s0 =	sshra.s32 s0, $0x1F;
	v9 =	vsel vm6, s23, v55  }
0x1af: {  	s24 =	sshrl.u32 s18, $0x1F;
	s25 =	sshra.s32 s18, $0x5;
	v8 =	vperm.xlane v56, v3;
	v12 =	vsel vm6, s16, v53;
	v9 =	vsel vm3, s0, v9  }
0x1b0: {  	v60 =	vperm.xlane v58, v3;
	v12 =	vsel vm11, s24, v12;
	v9 =	vsel vm11, s25, v9  }
0x1b1: {  	vm9 =	vne.s32 v57, v59;
	v5 =	vperm.xlane v12, v4;
	v9 =	vperm.xlane v9, v4  }
0x1b2: {  	vm9 =	vmand vm10, vm9  }
0x1b3: {  	v61 =	vsel vm9, $0xFFFFFFFF, v0;
	v5 =	vsel vm13, v5, v8;
	v62 =	vsel vm13, v9, v60  }
0x1b4: {  	v7 =	vadd.s32 v61, v7;
	v5 =	vadd.s32 v5, v62  }
0x1b5: {  	vm9 =	vlt.s32 v7, $0x383;
	v8 =	vmul.u32 $0xFFFFFFB0, v5  }
0x1b6: {  	v63 =	vsub.s32 $0x0, v6;
	v7 =	vnsel vm9, $0x383, v7  }
0x1b7: {  	vm9 =	vlt.s32 v6, $0x1;
	vm10 =	vne.s32 v8, v63  }
0x1b8: {  	vm9 =	vmand vm9, vm10  }
0x1b9: {  	v6 =	vsel vm9, $0xFFFFFFFF, v0  }
0x1ba: {  	s26 =	simm.s32 $0x19D80;
	v5 =	vadd.s32 v6, v5  }
0x1bb: {  	v6 =	vld.idx.msk [tilespmem:v7+s26+$0x0], $0xffff;
	vm9 =	vlt.s32 v5, $0x383  }
0x1bc: {  	v5 =	vnsel vm9, $0x383, v5;
	_ =	sdelay $0x2  }
0x1bd: {  	s28 =	rddreg [dreg:$0x4]  }
0x1be: {  	[tilespmem:s28+$0x1B280] =	vst v6  }
0x1bf: {  	v5 =	vld.idx.msk [tilespmem:v5+s26+$0x0], $0xffff;
	_ =	sdelay $0x3  }
0x1c0: {  	s29 =	rddreg [dreg:$0x5]  }
0x1c1: {  	s31 =	simm.s32 $0x1B580;
	s1 =	simm.s32 $0x0;
	vm8 =	vmmov vm13;
	s30 =	simm.s32 $0x1A180;
	vm4 =	vmmov vm11;
	[tilespmem:s29+$0x1B280] =	vst v5  }
.LBB2_29:
0x1c2: {  	p1 =	por $0x1, $0x1  }
.Ltmp15:
0x1c3: {  	s0 =	sshll.u32 s1, $0x4;
	(pc) =	sbr.rel @!p1 .LBB2_30-.Ltmp15, $4  }
0x1c4: {  	v5 =	vld [tilespmem:s0+$0x19980]  }
0x1c5: {  	s2 =	simm.s32 $0x0;
	v7 =	vld [tilespmem:s0+$0x19B80]  }
0x1c6: {  	v9 =	vld.msk [tilespmem:s2+$0x19980 ss:$0x0], $0xffff  }
0x1c7: {  	v6 =	vimm.s32 $0x0;
	p0 =	por $0x0, $0x0;
	v10 =	vld.msk [tilespmem:s2+$0x19B80 ss:$0x0], $0xffff  }
0x1c8: {  	_ =	sdelay $0x1  }
0x1c9: {  	p1 =	por $0x1, $0x1  }
.Ltmp16:
0x1ca: {  	s3 =	simm.s32 $0x1;
	(pc) =	sbr.rel @!p1 .LBB2_32-.Ltmp16, $4  }
0x1cb: {  	vm9 =	veq.s32 v9, v5;
	vm11 =	vgt.u32 v9, v5;
	v9 =	vld.msk [tilespmem:s3+$0x19980 ss:$0x0], $0xffff;
	vm10 =	vlt.s32 v10, v7  }
0x1cc: {  	v10 =	vld.msk [tilespmem:s3+$0x19B80 ss:$0x0], $0xffff;
	vm9 =	vmand vm9, vm10  }
0x1cd: {  	vm9 =	vmor vm11, vm9  }
0x1ce: {  	s2 =	simm.s32 $0x8;
	p0 =	por $0x1, $0x1;
	v8 =	vimm.s32 $0x0;
	v11 =	vsel vm9, $0x1, v0  }
.LBB2_33:
0x1cf: {  	s3 =	sshra.s32 s2, $0x2;
	v8 =	vadd.s32 v11, v8;
	p1 =	sne.s32 s2, $0x5FC  }
.Ltmp17:
0x1d0: {  	s2 =	sadd.s32 $0x4, s2;
	v11 =	vmov v9;
	v9 =	vld.msk [tilespmem:s3+$0x19980 ss:$0x0], $0xffff;
	(pc) =	sbr.rel @p1 .LBB2_33-.Ltmp17, $4  }
0x1d1: {  	vm9 =	veq.s32 v11, v5;
	vm10 =	vlt.s32 v10, v7;
	v10 =	vld.msk [tilespmem:s3+$0x19B80 ss:$0x0], $0xffff  }
0x1d2: {  	vm11 =	vgt.u32 v11, v5;
	vm9 =	vmand vm9, vm10  }
0x1d3: {  	vm9 =	vmor vm11, vm9  }
0x1d4: {  	v11 =	vsel vm9, $0x1, v0  }
.LBB2_34:
0x1d5: {  	vm9 =	veq.s32 v9, v5;
	vm11 =	vgt.u32 v9, v5;
	v5 =	vadd.s32 @p0 v11, v8;
	s1 =	sadd.s32 $0x1, s1  }
0x1d6: {  	vm10 =	vlt.s32 v10, v7;
	v5 =	vpsel p0, v5, v6;
	p0 =	sne.s32 s1, $0x18  }
.Ltmp18:
0x1d7: {  	vm9 =	vmand vm9, vm10;
	(pc) =	sbr.rel @p0 .LBB2_29-.Ltmp18, $4  }
.Ltmp19:
0x1d8: {  	vm9 =	vmor vm11, vm9;
	(pc) =	sbr.rel @!p0 .LBB2_35-.Ltmp19, $4  }
0x1d9: {  	v7 =	vsel vm9, $0x1, v0  }
0x1da: {  	v5 =	vadd.s32 v7, v5  }
0x1db: {  	[tilespmem:s0+$0x1B080] =	vst v5;
	s0 =	simm.s32 $0x0  }
0x1dc: {  	_ = 	snop  }
.LBB2_30:
.Ltmp20:
0x1dd: {  	(pc) =	sbr.rel .LBB2_34-.Ltmp20, $2  }
0x1de: {  	_ =	sdelay $0x2  }
0x1df: {  	v8 =	vimm.s32 $0x0  }
.LBB2_32:
.Ltmp21:
0x1e0: {  	(pc) =	sbr.rel .LBB2_34-.Ltmp21, $2  }
0x1e1: {  	_ =	sdelay $0x2  }
0x1e2: {  	v8 =	vimm.s32 $0x0  }
.LBB2_35:
0x1e3: {  	s1 =	simm.s32 $0x0  }
0x1e4: {  	v5 =	vld [tilespmem:s1+$0x19B80]  }
0x1e5: {  	v6 =	vld [tilespmem:s1+$0x1B280]  }
0x1e6: {  	v7 =	vld [tilespmem:s1+$0x1B080];
	_ =	sdelay $0x3  }
0x1e7: {  	v6 =	vshll.u32 v6, $0xA  }
0x1e8: {  	s2 =	simm.s32 $0x10;
	vm9 =	vlt.s32 v7, $0x12C;
	v6 =	vadd.s32 v7, v6;
	v7 =	vadd.s32 $0x100000, v5  }
0x1e9: {  	s3 =	simm.s32 $0x80;
	v5 =	vld [tilespmem:s2+$0x19B80];
	v6 =	vsel vm9, v6, v7  }
.LBB2_36:
0x1ea: {  	p0 =	sne.s32 s3, $0x5C0;
	v7 =	vld [tilespmem:s2+$0x1B280];
	[tilespmem:s1+$0x1B080] =	vst v6;
	s1 =	smov.u32 s2  }
0x1eb: {  	v6 =	vld [tilespmem:s1+$0x1B080];
	_ =	sdelay $0x1  }
.Ltmp22:
0x1ec: {  	(pc) =	sbr.rel @p0 .LBB2_36-.Ltmp22, $4  }
0x1ed: {  	_ = 	snop  }
0x1ee: {  	v7 =	vshll.u32 v7, $0xA  }
0x1ef: {  	s2 =	sshra.s32 s3, $0x2;
	vm9 =	vlt.s32 v6, $0x12C;
	v6 =	vadd.s32 v6, v7;
	v7 =	vadd.s32 $0x100000, v5  }
0x1f0: {  	s3 =	sadd.s32 $0x40, s3;
	v5 =	vld [tilespmem:s2+$0x19B80];
	v6 =	vsel vm9, v6, v7  }
0x1f1: {  	v7 =	vld [tilespmem:s2+$0x1B280];
	[tilespmem:s1+$0x1B080] =	vst v6  }
0x1f2: {  	v6 =	vld [tilespmem:s2+$0x1B080];
	_ =	sdelay $0x3  }
0x1f3: {  	v7 =	vshll.u32 v7, $0xA  }
0x1f4: {  	v5 =	vadd.s32 $0x100000, v5;
	vm9 =	vlt.s32 v6, $0x12C;
	v6 =	vadd.s32 v6, v7  }
0x1f5: {  	v5 =	vsel vm9, v6, v5  }
0x1f6: {  	vm10 =	vmmov vm12;
	[tilespmem:s2+$0x1B080] =	vst v5  }
.LBB2_38:
0x1f7: {  	s1 =	sshll.u32 s0, $0x4  }
0x1f8: {  	s3 =	simm.s32 $0x0;
	v6 =	vld [tilespmem:s1+$0x1B080]  }
0x1f9: {  	v5 =	vimm.s32 $0x0;
	s2 =	simm.s32 $0x4;
	v7 =	vld.msk [tilespmem:s3+$0x1B080 ss:$0x0], $0xffff  }
.LBB2_39:
0x1fa: {  	_ = 	snop  }
0x1fb: {  	p0 =	sne.s32 s2, $0x5FC  }
.Ltmp23:
0x1fc: {  	_ = 	snop;
	(pc) =	sbr.rel @p0 .LBB2_39-.Ltmp23, $4  }
0x1fd: {  	_ = 	snop  }
0x1fe: {  	vm9 =	vlt.s32 v7, v6  }
0x1ff: {  	s3 =	sshra.s32 s2, $0x2;
	v8 =	vsel vm9, $0x1, v0  }
0x200: {  	s2 =	sadd.s32 $0x4, s2;
	v7 =	vld.msk [tilespmem:s3+$0x1B080 ss:$0x0], $0xffff;
	v5 =	vadd.s32 v8, v5  }
0x201: {  	_ = 	snop  }
0x202: {  	s0 =	sadd.s32 $0x1, s0  }
0x203: {  	p0 =	sne.s32 s0, $0x18  }
.Ltmp24:
0x204: {  	_ = 	snop;
	(pc) =	sbr.rel @p0 .LBB2_38-.Ltmp24, $4  }
0x205: {  	vm9 =	vlt.s32 v7, v6  }
0x206: {  	v6 =	vsel vm9, $0x1, v0  }
0x207: {  	v5 =	vadd.s32 v6, v5  }
0x208: {  	[tilespmem:s1+$0x1B400] =	vst v5  }
0x209: {  	v6 =	vld [tilespmem:$0x1B000];
	_ =	sdelay $0x2  }
0x20a: {  	vm13 =	vcmask $0x1714;
	vm14 =	vcmask $0x1F1C;
	vm5 =	vmmov vm7  }
0x20b: {  	vm11 =	vmmov vm4;
	vm4 =	vcmask $0x300;
	vm6 =	vcmask $0x2B28  }
0x20c: {  	s28 =	simm.s32 $0x0;
	vm7 =	vcmask $0x3330;
	s29 =	simm.s32 $0x1B700;
	v5 =	vbroadcast v6, $0x0;
	v6 =	vbroadcast v6, $0x1  }
.LBB2_42:
0x20d: {  	s0 =	sshra.s32 s28, $0x2  }
0x20e: {  	v7 =	vld [tilespmem:s0+$0x19B80];
	_ =	sdelay $0x4  }
0x20f: {  	(v2sf) =	vpush v7, $0xD;
	_ =	sdelay $0x1  }
0x210: {  	(v2sf) =	vpush v7, $0xC;
	_ =	sdelay $0x1  }
0x211: {  	(v2sf) =	vpush v7, $0xE;
	_ =	sdelay $0x1  }
0x212: {  	(v2sf) =	vpush v7, $0xF;
	_ =	sdelay $0x1  }
0x213: {  	(v2sf) =	vpush v7, $0x9;
	_ =	sdelay $0x1  }
0x214: {  	(v2sf) =	vpush v7, $0x8;
	_ =	sdelay $0x1  }
0x215: {  	(v2sf) =	vpush v7, $0xA;
	_ =	sdelay $0x1  }
0x216: {  	(v2sf) =	vpush v7, $0xB  }
0x217: {  	s1 =	spop (v2sf)  }
0x218: {  	(v2sf) =	vpush v7, $0x0;
	s2 =	smulhi.u32 $0x66666667, s1;
	s1 =	sshra.s32 s1, $0x1F  }
0x219: {  	s3 =	spop (v2sf);
	s1 =	smul.u32 $0x66666667, s1  }
0x21a: {  	(v2sf) =	vpush v7, $0x1;
	s4 =	smulhi.u32 $0x66666667, s3;
	s3 =	sshra.s32 s3, $0x1F  }
0x21b: {  	s5 =	spop (v2sf);
	s3 =	smul.u32 $0x66666667, s3  }
0x21c: {  	(v2sf) =	vpush v7, $0x2;
	s7 =	smulhi.u32 $0x66666667, s5;
	s5 =	sshra.s32 s5, $0x1F  }
0x21d: {  	(v2sf) =	vpush v7, $0x3;
	s6 =	spop (v2sf);
	s5 =	smul.u32 $0x66666667, s5  }
0x21e: {  	(v2sf) =	vpush v7, $0x4;
	s11 =	smulhi.u32 $0x66666667, s6;
	s6 =	sshra.s32 s6, $0x1F  }
0x21f: {  	(v2sf) =	vpush v7, $0x5;
	s8 =	spop (v2sf);
	s6 =	smul.u32 $0x66666667, s6  }
0x220: {  	(v2sf) =	vpush v7, $0x6;
	s12 =	smulhi.u32 $0x66666667, s8;
	s8 =	sshra.s32 s8, $0x1F  }
0x221: {  	(v2sf) =	vpush v7, $0x7;
	s9 =	spop (v2sf);
	s8 =	smul.u32 $0x66666667, s8  }
0x222: {  	s16 =	smulhi.u32 $0x66666667, s9;
	s9 =	sshra.s32 s9, $0x1F  }
0x223: {  	s2 =	sadd.s32 s1, s2;
	s10 =	spop (v2sf);
	s9 =	smul.u32 $0x66666667, s9  }
0x224: {  	s4 =	sadd.s32 s3, s4;
	s19 =	smulhi.u32 $0x66666667, s10;
	s10 =	sshra.s32 s10, $0x1F  }
0x225: {  	s25 =	sshrl.u32 s4, $0x1F;
	s13 =	spop (v2sf);
	s21 =	smul.u32 $0x66666667, s10  }
0x226: {  	s4 =	sshra.s32 s4, $0x5;
	s23 =	smulhi.u32 $0x66666667, s13;
	s13 =	sshra.s32 s13, $0x1F  }
0x227: {  	s1 =	sadd.s32 s6, s11;
	s14 =	spop (v2sf);
	s13 =	smul.u32 $0x66666667, s13  }
0x228: {  	s8 =	sadd.s32 s8, s12;
	s24 =	smulhi.u32 $0x66666667, s14;
	s3 =	sshra.s32 s14, $0x1F  }
0x229: {  	s15 =	spop (v2sf);
	s14 =	sshrl.u32 s2, $0x1F;
	s26 =	smul.u32 $0x66666667, s3  }
0x22a: {  	s3 =	sadd.s32 s5, s7;
	s7 =	smulhi.u32 $0x66666667, s15;
	s5 =	sshra.s32 s15, $0x1F  }
0x22b: {  	s9 =	sadd.s32 s9, s16;
	s17 =	spop (v2sf);
	s11 =	smul.u32 $0x66666667, s5  }
0x22c: {  	s18 =	spop (v2sf);
	s15 =	sshrl.u32 s3, $0x1F;
	s12 =	smulhi.u32 $0x66666667, s17  }
0x22d: {  	s6 =	sshra.s32 s17, $0x1F;
	s17 =	sshrl.u32 s1, $0x1F;
	s20 =	spop (v2sf)  }
0x22e: {  	s16 =	smul.u32 $0x66666667, s6;
	s6 =	sadd.s32 s21, s19;
	s22 =	spop (v2sf)  }
0x22f: {  	s19 =	smulhi.u32 $0x66666667, s18;
	s18 =	sshra.s32 s18, $0x1F;
	s10 =	spop (v2sf)  }
0x230: {  	s5 =	sadd.s32 s13, s23;
	s13 =	smul.u32 $0x66666667, s18;
	s18 =	spop (v2sf)  }
0x231: {  	s21 =	sadd.s32 s26, s24;
	s23 =	smulhi.u32 $0x66666667, s18;
	s18 =	sshra.s32 s18, $0x1F  }
0x232: {  	s24 =	sshrl.u32 s8, $0x1F;
	s11 =	sadd.s32 s11, s7;
	s7 =	smul.u32 $0x66666667, s18  }
0x233: {  	s26 =	sshra.s32 s20, $0x1F;
	s12 =	sadd.s32 s16, s12;
	s16 =	smulhi.u32 $0x66666667, s20  }
0x234: {  	s20 =	sshrl.u32 s9, $0x1F;
	s9 =	sshra.s32 s9, $0x5;
	s7 =	sadd.s32 s7, s23  }
0x235: {  	v9 =	vmov s25;
	s13 =	sadd.s32 s13, s19;
	s18 =	smul.u32 $0x66666667, s26;
	s26 =	sshra.s32 s7, $0x1F  }
0x236: {  	v9 =	vsel vm0, s14, v9;
	s19 =	sshra.s32 s21, $0x5;
	s14 =	smulhi.u32 $0x66666667, s22;
	s22 =	sshra.s32 s22, $0x1F;
	v8 =	vmov s26  }
0x237: {  	vm9 =	vcmask $0x704;
	s22 =	smul.u32 $0x66666667, s22;
	s26 =	sshrl.u32 s21, $0x1F;
	s21 =	sshra.s32 s21, $0x1F;
	v8 =	vsel vm4, s19, v8  }
0x238: {  	v11 =	vmov s20;
	s25 =	smulhi.u32 $0x66666667, s10;
	s10 =	sshra.s32 s10, $0x1F;
	v10 =	vmov s26;
	s26 =	sshra.s32 s11, $0x5;
	v8 =	vsel vm9, s21, v8  }
0x239: {  	v51 =	vmov s4;
	v11 =	vsel vm0, s24, v11;
	s23 =	sshrl.u32 s6, $0x1F;
	s19 =	sshrl.u32 s11, $0x1F;
	s11 =	sshra.s32 s11, $0x1F;
	v8 =	vsel vm0, s26, v8  }
0x23a: {  	v9 =	vsel vm1, s15, v9;
	s16 =	sadd.s32 s18, s16;
	s18 =	sshrl.u32 s5, $0x1F;
	v11 =	vsel vm1, s23, v11;
	s26 =	sshra.s32 s12, $0x5;
	v8 =	vsel vm10, s11, v8  }
0x23b: {  	v9 =	vsel vm2, s17, v9;
	s10 =	smul.u32 $0x66666667, s10;
	v11 =	vsel vm2, s18, v11;
	s21 =	sshrl.u32 s12, $0x1F;
	s12 =	sshra.s32 s12, $0x1F;
	v8 =	vsel vm1, s26, v8  }
0x23c: {  	s2 =	sshra.s32 s2, $0x5;
	v12 =	vmov s9;
	v9 =	vcombine.low v11, v9;
	s11 =	sadd.s32 s22, s14;
	s22 =	sshra.s32 s13, $0x5;
	v8 =	vsel vm13, s12, v8  }
0x23d: {  	s10 =	sadd.s32 s10, s25;
	s25 =	sshra.s32 s13, $0x1F;
	s18 =	sshra.s32 s3, $0x5;
	v11 =	vsel vm0, s2, v51;
	v10 =	vnsel vm4, $0x0, v10;
	v8 =	vsel vm2, s22, v8  }
0x23e: {  	v11 =	vsel vm1, s18, v11;
	v10 =	vsel vm0, s19, v10;
	s14 =	sshra.s32 s16, $0x5;
	v8 =	vsel vm14, s25, v8  }
0x23f: {  	s1 =	sshra.s32 s1, $0x5;
	s20 =	sshrl.u32 s13, $0x1F;
	s15 =	sshra.s32 s16, $0x1F;
	vm9 =	vcmask $0x2F2C;
	v10 =	vsel vm1, s21, v10;
	v8 =	vsel vm5, s14, v8  }
0x240: {  	v11 =	vsel vm2, s1, v11;
	s21 =	sshrl.u32 s16, $0x1F;
	s16 =	sshra.s32 s8, $0x5;
	v10 =	vsel vm2, s20, v10;
	s17 =	sshra.s32 s11, $0x5;
	v8 =	vsel vm15, s15, v8  }
0x241: {  	s24 =	sshrl.u32 s11, $0x1F;
	v12 =	vsel vm0, s16, v12;
	s20 =	sshra.s32 s6, $0x5;
	v10 =	vsel vm5, s21, v10;
	s21 =	sshra.s32 s11, $0x1F;
	v8 =	vsel vm6, s17, v8  }
0x242: {  	s23 =	sshra.s32 s10, $0x5;
	s26 =	sshrl.u32 s10, $0x1F;
	v12 =	vsel vm1, s20, v12;
	v10 =	vsel vm6, s24, v10;
	s22 =	sshra.s32 s5, $0x5;
	v8 =	vsel vm9, s21, v8  }
0x243: {  	s24 =	sshrl.u32 s7, $0x1F;
	v10 =	vsel vm7, s26, v10;
	v12 =	vsel vm2, s22, v12;
	s25 =	sshra.s32 s10, $0x1F;
	v8 =	vsel vm7, s23, v8  }
0x244: {  	s26 =	sshra.s32 s7, $0x5;
	v10 =	vsel vm11, s24, v10;
	v11 =	vcombine.low v12, v11;
	v8 =	vsel vm3, s25, v8  }
0x245: {  	v9 =	vperm.xlane v9, v3;
	v10 =	vperm.xlane v10, v4;
	v8 =	vsel vm11, s26, v8  }
0x246: {  	v11 =	vperm.xlane v11, v3;
	v8 =	vperm.xlane v8, v4;
	_ =	sdelay $0x1  }
0x247: {  	v9 =	vsel vm8, v10, v9;
	v8 =	vsel vm8, v8, v11  }
0x248: {  	v8 =	vadd.s32 v9, v8  }
0x249: {  	v52 =	vld [tilespmem:s0+$0x1B400];
	v53 =	vmul.u32 $0xFFFFFFB0, v8  }
0x24a: {  	v54 =	vsub.s32 $0x0, v7  }
0x24b: {  	vm9 =	vlt.s32 v7, $0x1;
	vm10 =	vne.s32 v53, v54  }
0x24c: {  	vm9 =	vmand vm9, vm10  }
0x24d: {  	v55 =	vsel vm9, $0xFFFFFFFF, v0  }
0x24e: {  	vm10 =	vlt.s32 v52, $0x12B;
	vm9 =	vlt.s32 v52, $0x12C;
	v8 =	vadd.s32 v55, v8  }
0x24f: {  	v9 =	vnsel vm10, $0x12B, v52;
	vm10 =	vlt.s32 v8, $0x383  }
0x250: {  	v8 =	vnsel vm10, $0x383, v8  }
0x251: {  	v56 =	vmul.u32 $0xFFFFFFB0, v8;
	_ =	sdelay $0x1  }
0x252: {  	v7 =	vadd.s32 v7, v56  }
0x253: {  	[tilespmem:v9+s31+$0x0] =	vst.idx.msk vm9, v7  }
0x254: {  	v7 =	vld [tilespmem:s0+$0x1B280];
	_ =	sdelay $0x3  }
0x255: {  	s19 =	simm.s32 $0x1BD80  }
0x256: {  	[tilespmem:v9+s19+$0x0] =	vst.idx.msk vm9, v7  }
0x257: {  	v7 =	vld [tilespmem:s0+$0x19980];
	_ =	sdelay $0x4  }
0x258: {  	vm10 =	vlt.s32 v7, $0x0;
	v57 =	vand.u32 $0x7FFFFFFF, v7;
	v7 =	vxor.u32 $0xFFFFFFFF, v7  }
0x259: {  	v7 =	vsel vm10, v57, v7  }
0x25a: {  	v7 =	vsub.f32 $0.0e+00, v7;
	_ =	sdelay $0x1  }
0x25b: {  	v7 =	vmul.f32 $1.442695020e+00, v7;
	_ =	sdelay $0x1  }
0x25c: {  	(erf) = vpow2.f32 v7;
	_ =	sdelay $0x8  }
0x25d: {  	v7 =	vpop (erf)  }
0x25e: {  	v7 =	vadd.f32 $1.000000000e+00, v7;
	_ =	sdelay $0x1  }
0x25f: {  	(erf) = vrcp.f32 v7;
	_ =	sdelay $0x4  }
0x260: {  	v7 =	vshll.u32 v8, $0x2  }
0x261: {  	v8 =	vor.u32 $0x2, v7  }
0x262: {  	v58 =	vor.u32 $0x3, v7;
	_ =	sdelay $0x1  }
0x263: {  	s13 =	simm.s32 $0x1BC00;
	v60 =	vor.u32 $0x1, v7;
	v59 =	vpop (erf)  }
0x264: {  	[tilespmem:v9+s13+$0x0] =	vst.idx.msk vm9, v59  }
0x265: {  	v8 =	vld.idx.msk [tilespmem:v8+s30+$0x0], $0xffff  }
0x266: {  	v10 =	vld.idx.msk [tilespmem:v58+s30+$0x0], $0xffff  }
0x267: {  	v7 =	vld.idx.msk [tilespmem:v7+s30+$0x0], $0xffff  }
0x268: {  	v11 =	vld.idx.msk [tilespmem:v60+s30+$0x0], $0xffff;
	_ =	sdelay $0x1  }
0x269: {  	v8 =	vmul.f32 $5.000000000e-01, v8  }
0x26a: {  	v9 =	vshll.u32 v9, $0x2;
	v10 =	vmul.f32 $5.000000000e-01, v10  }
0x26b: {  	v13 =	vor.u32 $0x1, v9;
	v61 =	vsub.f32 v7, v8  }
0x26c: {  	v15 =	vor.u32 $0x2, v9;
	v14 =	vsub.f32 v11, v10  }
0x26d: {  	p0 =	sne.s32 s28, $0x5C0;
	v7 =	vadd.f32 v8, v7;
	v8 =	vor.u32 $0x3, v9;
	v12 =	vmul.f32 v61, v5  }
.Ltmp25:
0x26e: {  	v10 =	vadd.f32 v10, v11;
	v62 =	vmul.f32 v14, v6;
	(pc) =	sbr.rel @p0 .LBB2_42-.Ltmp25, $4  }
0x26f: {  	v7 =	vmul.f32 v7, v5;
	[tilespmem:v9+s29+$0x0] =	vst.idx.msk vm9, v12  }
0x270: {  	v63 =	vmul.f32 v10, v6;
	[tilespmem:v13+s29+$0x0] =	vst.idx.msk vm9, v62  }
0x271: {  	[tilespmem:v15+s29+$0x0] =	vst.idx.msk vm9, v7  }
0x272: {  	s28 =	sadd.s32 $0x40, s28;
	vm10 =	vmmov vm12;
	[tilespmem:v8+s29+$0x0] =	vst.idx.msk vm9, v63  }
0x273: {  	s2 =	rddreg [dreg:$0x11]  }
0x274: {  	s0 =	smul.u32 $0xC00, s2  }
0x275: {  	s3 =	rddreg [dreg:$0xe]  }
0x276: {  	s1 =	rddreg [dreg:$0x9];
	s0 =	sor.u32 s3, s0  }
0x277: {  	s4 =	simm.s32 $0x80;
	s5 =	simm.s32 $0x400;
	s0 =	sshrl.u32 s0, $0x3  }
0x278: {  	s6 =	simm.s32 $0x1;
	s2 =	smul.u32 $0x2800, s2;
	s1 =	sadd.s32 s1, s0  }
0x279: {  	[hbm4b:s1+s4] =	stream.strided.scatter [tilespmem:s31], [sflag:$0x1], $0x180, s5, s4, $0x38;
	[tilespmem:$0x1BF00] =	vst v63  }
0x27a: {  	s26 =	sor.u32 s3, s2;
	_ =	swait.ge [sflag:s6], $0x180  }
0x27b: {  	s1 =	sshrl.u32 s26, $0x3;
	[sflag:s6] =	ssyncset.done $0x0;
	s28 =	rddreg [dreg:$0xb]  }
0x27c: {  	[sflag:s6] =	ssyncadd.s32 $0xFFFFFE80;
	s1 =	sadd.s32 s28, s1  }
0x27d: {  	[hbm4b:s1+s4] =	stream.strided.scatter [tilespmem:s29], [sflag:$0x1], $0x500, s5, s4, $0x38;
	[tilespmem:$0x1BF00] =	vst v63  }
0x27e: {  	_ =	swait.ge [sflag:s6], $0x500  }
0x27f: {  	[sflag:s6] =	ssyncset.done $0x0;
	s29 =	rddreg [dreg:$0xc]  }
0x280: {  	[sflag:s6] =	ssyncadd.s32 $0xFFFFFB00;
	s1 =	sadd.s32 s29, s0  }
0x281: {  	[hbm4b:s1+s4] =	stream.strided.scatter [tilespmem:s13], [sflag:$0x1], $0x180, s5, s4, $0x38;
	[tilespmem:$0x1BF00] =	vst v63  }
0x282: {  	_ =	swait.ge [sflag:s6], $0x180  }
0x283: {  	[sflag:s6] =	ssyncset.done $0x0;
	s31 =	rddreg [dreg:$0xd]  }
0x284: {  	[sflag:s6] =	ssyncadd.s32 $0xFFFFFE80;
	s0 =	sadd.s32 s31, s0  }
0x285: {  	[hbm4b:s0+s4] =	stream.strided.scatter [tilespmem:s19], [sflag:$0x1], $0x180, s5, s4, $0x38;
	[tilespmem:$0x1BF00] =	vst v63  }
0x286: {  	_ =	swait.ge [sflag:s6], $0x180  }
0x287: {  	s8 =	rddreg [dreg:$0x10]  }
0x288: {  	s8 =	sadd.s32 $0x1, s8  }
0x289: {  	p0 =	sne.s32 s8, $0x4  }
.Ltmp26:
0x28a: {  	_ = 	snop;
	(pc) =	sbr.rel @p0 .LBB2_2-.Ltmp26, $4  }
.Ltmp27:
0x28b: {  	_ = 	snop;
	(pc) =	sbr.rel @!p0 .LBB2_44-.Ltmp27, $4  }
0x28c: {  	_ = 	snop  }
0x28d: {  	vm12 =	vmmov vm14;
	vm3 =	vmmov vm4;
	vm4 =	vmmov vm5;
	[sflag:s6] =	ssyncset.done $0x0  }
0x28e: {  	s7 =	simm.s32 $0x11980;
	vm5 =	vmmov vm6;
	vm6 =	vmmov vm7;
	vm8 =	vcmask $0x704;
	s10 =	simm.s32 $0x19D80;
	[sflag:s6] =	ssyncadd.s32 $0xFFFFFE80  }
0x28f: {  	_ = 	snop  }
.LBB2_11:
.Ltmp28:
0x290: {  	(pc) =	sbr.rel .LBB2_22-.Ltmp28, $2  }
0x291: {  	_ =	sdelay $0x2  }
0x292: {  	s3 =	smov.u32 s30;
	s31 =	simm.s32 $0x800001EF;
	v5 =	vmov v10;
	s1 =	simm.s32 $0xFFFFFFFF  }
.LBB2_13:
.Ltmp29:
0x293: {  	(pc) =	sbr.rel .LBB2_22-.Ltmp29, $3  }
0x294: {  	_ =	sdelay $0x1  }
0x295: {  	s3 =	smov.u32 s30  }
0x296: {  	s13 =	simm.s32 $0x800001EF;
	s31 =	simm.s32 $0x800001DF;
	s1 =	simm.s32 $0xFFFFFFFF  }
.LBB2_15:
.Ltmp30:
0x297: {  	(pc) =	sbr.rel .LBB2_22-.Ltmp30, $3  }
0x298: {  	_ =	sdelay $0x1  }
0x299: {  	s5 =	simm.s32 $0x800001EF  }
0x29a: {  	v10 =	vmov v5;
	s3 =	smov.u32 s30;
	s13 =	simm.s32 $0x800001DF;
	v5 =	vmov v11;
	s1 =	simm.s32 $0xFFFFFFFF  }
.LBB2_17:
.Ltmp31:
0x29b: {  	(pc) =	sbr.rel .LBB2_22-.Ltmp31, $3  }
0x29c: {  	_ =	sdelay $0x1  }
0x29d: {  	s5 =	simm.s32 $0x800001DF;
	s13 =	simm.s32 $0x800001CF  }
0x29e: {  	v8 =	vmov v6;
	s31 =	simm.s32 $0x800001BF;
	v10 =	vmov v11;
	v5 =	vmov v7;
	s19 =	simm.s32 $0x800001EF;
	s1 =	simm.s32 $0xFFFFFFFF  }
.LBB2_19:
.Ltmp32:
0x29f: {  	(pc) =	sbr.rel .LBB2_22-.Ltmp32, $3  }
0x2a0: {  	_ =	sdelay $0x1  }
0x2a1: {  	s5 =	simm.s32 $0x800001CF;
	s31 =	simm.s32 $0x800001AF  }
0x2a2: {  	v10 =	vmov v7;
	s2 =	simm.s32 $0x800001EF;
	s19 =	simm.s32 $0x800001DF;
	s1 =	simm.s32 $0xFFFFFFFF  }
.LBB2_45:
0x2a3: {  	_ =	sfence.sel $0x180000  }
0x2a4: {  	[bflag:$0x0] =	sbarrier.arrive $0xFFFF  }
0x2a5: {  	_ =	strace $0x90000047  }
0x2a6: {  	s0 =	stileid.u32;
	[bflag:$0x2] =	sbarrier.arrive $0xFFFF  }
0x2a7: {  	p0 =	sne.s32 s0, $0x0;
	s0 =	rddreg [dreg:$0x3]  }
0x2a8: {  	s0 =	sadd.s32 @!p0 $0x100000, s0  }
0x2a9: {  	[sflag:s0] =	ssyncadd.tile.s32 @!p0 $0x1;
	_ =	shalt  }
.Lfunc_end2:
_tile_overlayer_lowered:
.L_overlay_start_2:
0x2aa: {  	(tag) =	ssettag $0x2  }
0x2ab: {  	s0 =	rddreg [dreg:$0x0];
	s2 =	stileid.u32  }
0x2ac: {  	s1 =	rddreg [dreg:$0x1];
	p0 =	sne.s32 s2, $0x0  }
0x2ad: {  	s3 =	rddreg [dreg:$0x2];
	[bflag:$0x3] =	sbarrier.arrive $0xFFFF;
	s2 =	simm.s32 @!p0 $0x1C01  }
0x2ae: {  	[timem:s3], [sflag:s2] =	dma.local @!p0 [hbm:s0], s1  }
0x2af: {  	s0 =	simm.s32 @!p0 $0x1  }
0x2b0: {  	_ =	swait.ge @!p0 [sflag:s0], s1  }
0x2b1: {  	s1 =	ssub.s32 @!p0 $0x0, s1;
	[sflag:s0] =	ssyncset.done @!p0 $0x0  }
0x2b2: {  	[sflag:s0] =	ssyncadd.s32 @!p0 s1  }
0x2b3: {  	[bflag:$0x3] =	sbarrier.arrive $0xFFFF  }
0x2b4: {  	_ =	shalt  }

</sc_bundles>
